<compile_context>
chip_gen: v7x
topology: tpu7x:2x2x1
jax: 0.10.2.dev20260603
libtpu: 0.0.44.dev20260713+nightly
codegen_flags: <defaults>
</compile_context>

<pallas_src>
import functools

import jax
import jax.numpy as jnp
from jax import lax
from jax.experimental import pallas as pl
from jax.experimental.pallas import tpu as pltpu
from jax.experimental.pallas import tpu_sc as plsc

B = 16384
D = 50
NUMERIC = 13
NC = 2
NS = 16
NW = NC * NS
BPW = B // NW
EPS = 1e-5
BM = 2048
NQ = 8


def _sc_gather(idxs, tbls):
    n = len(tbls)
    mesh = plsc.VectorSubcoreMesh(core_axis_name="c", subcore_axis_name="s")
    out_t = [jax.ShapeDtypeStruct((B, D), jnp.float32)] * n

    @functools.partial(
        pl.kernel,
        mesh=mesh,
        out_type=out_t,
        scratch_types=[
            pltpu.VMEM((BPW,), jnp.int32),
            pltpu.VMEM((BPW, D), jnp.float32),
        ] + [pltpu.SemaphoreType.DMA] * NQ,
    )
    def k(*args):
        ixs, rest = args[:n], args[n:]
        ts, rest = rest[:n], rest[n:]
        outs, rest = rest[:n], rest[n:]
        idx_v, rows_v, *sems = rest
        wid = lax.axis_index("s") * NC + lax.axis_index("c")
        base = wid * BPW
        for ix, tbl, out in zip(ixs, ts, outs):
            pltpu.sync_copy(ix.at[pl.ds(base, BPW)], idx_v)

            @pl.loop(0, BPW, step=NQ)
            def _(i):
                for q in range(NQ):
                    r = idx_v[pl.ds(i + q, 1)][0]
                    pltpu.async_copy(tbl.at[pl.ds(r, 1), :],
                                     rows_v.at[pl.ds(i + q, 1), :], sems[q])

            for q in range(NQ):
                pltpu.make_async_copy(
                    out.at[pl.ds(base, BPW // NQ), :],
                    rows_v.at[pl.ds(0, BPW // NQ), :], sems[q]).wait()
            pltpu.sync_copy(rows_v, out.at[pl.ds(base, BPW), :])

    return k(*idxs, *tbls)


def _mlp_body(e0_ref, e1_ref, e2_ref, xn_ref, gn_ref, bn_ref, w1a_ref,
              w1b_ref, w1c_ref, w1d_ref, b1_ref, g1_ref, be1_ref, w2_ref,
              b2_ref, g2_ref, be2_ref, w3_ref, b3_ref, o_ref):
    inv = (1.0 + EPS) ** -0.5
    f32 = jnp.float32
    xnb = xn_ref[...] * (gn_ref[...] * inv) + bn_ref[...]
    h = jnp.dot(e0_ref[...], w1a_ref[...], preferred_element_type=f32)
    h = h + jnp.dot(e1_ref[...], w1b_ref[...], preferred_element_type=f32)
    h = h + jnp.dot(e2_ref[...], w1c_ref[...], preferred_element_type=f32)
    h = h + jnp.dot(xnb, w1d_ref[...], preferred_element_type=f32)
    h = jnp.maximum(h + b1_ref[...], 0.0) * (g1_ref[...] * inv) + be1_ref[...]
    h = jnp.dot(h, w2_ref[...], preferred_element_type=f32)
    h = jnp.maximum(h + b2_ref[...], 0.0) * (g2_ref[...] * inv) + be2_ref[...]
    o_ref[...] = jnp.dot(h, w3_ref[...], preferred_element_type=f32) + b3_ref[...]


def _tc_mlp(e0, e1, e2, xn, g_num, b_num, W1a, W1b, W1c, W1d, b1, g1, be1,
            W2, b2, g2, be2, W3, b3):
    grid = (B // BM,)
    full = lambda shape: pl.BlockSpec(shape, lambda i: tuple(0 for _ in shape))
    return pl.pallas_call(
        _mlp_body,
        grid=grid,
        in_specs=[
            pl.BlockSpec((BM, D), lambda i: (i, 0)),
            pl.BlockSpec((BM, D), lambda i: (i, 0)),
            pl.BlockSpec((BM, D), lambda i: (i, 0)),
            pl.BlockSpec((BM, NUMERIC), lambda i: (i, 0)),
            full(g_num.shape), full(b_num.shape),
            full(W1a.shape), full(W1b.shape), full(W1c.shape), full(W1d.shape),
            full(b1.shape), full(g1.shape), full(be1.shape),
            full(W2.shape), full(b2.shape), full(g2.shape), full(be2.shape),
            full(W3.shape), full(b3.shape),
        ],
        out_specs=pl.BlockSpec((BM, 1), lambda i: (i, 0)),
        out_shape=jax.ShapeDtypeStruct((B, 1), jnp.float32),
    )(e0, e1, e2, xn, g_num, b_num, W1a, W1b, W1c, W1d, b1, g1, be1, W2, b2,
      g2, be2, W3, b3)


def kernel(x, emb0, emb1, emb2, g_num, b_num, W1, b1, g1, be1, W2, b2, g2,
           be2, W3, b3):
    idx = x[:, :3].astype(jnp.int32)
    xn = x[:, 3:]
    (e1, e2) = _sc_gather([idx[:, 1], idx[:, 2]], [emb1, emb2])
    (e0,) = _sc_gather([idx[:, 0]], [emb0])
    W1a, W1b, W1c, W1d = W1[:D], W1[D:2 * D], W1[2 * D:3 * D], W1[3 * D:]
    return _tc_mlp(e0, e1, e2, xn, g_num, b_num, W1a, W1b, W1c, W1d, b1, g1,
                   be1, W2, b2, g2, be2, W3, b3)

# --- scband reference (transcript-rebuilt; emitter-appended) ---
"""Pipeline reference for scband-tabular-model-21766894256904 (READ-ONLY COPY).

The authoritative reference and input builder live on the scoring server;
editing this copy changes nothing except your own understanding.
"""

import jax, jax.numpy as jnp
import numpy as np

EMB_SIZES = [(1000000, 50), (100000, 50), (100000, 50)]
NUMERIC = 13
LAYERS = [512, 256]
OUT = 1
B = 16384
EPS = 1e-5


def setup_inputs(seed: int = 0) -> dict:
    key = jax.random.key(seed)
    ks = jax.random.split(key, 32)
    # first 3 columns are categorical indices stored as floats (forward casts to long)
    cat_cols = [jax.random.randint(ks[i], (B,), 0, EMB_SIZES[i][0]).astype(jnp.float32) for i in range(3)]
    x_num = jax.random.normal(ks[3], (B, NUMERIC), dtype=jnp.float32)
    x = jnp.concatenate([jnp.stack(cat_cols, axis=1), x_num], axis=1)
    inp = {"x": x}
    for i, (v, d) in enumerate(EMB_SIZES):
        inp[f"emb{i}"] = jax.random.normal(ks[4 + i], (v, d), dtype=jnp.float32) * 0.01
    inp["g_num"] = jnp.ones((NUMERIC,), jnp.float32)
    inp["b_num"] = jnp.zeros((NUMERIC,), jnp.float32)
    in_dim = sum(d for _, d in EMB_SIZES) + NUMERIC  # 163
    dims = [in_dim] + LAYERS
    k = 10
    for i in range(len(LAYERS)):
        fan_in = dims[i]
        inp[f"W{i+1}"] = jax.random.normal(ks[k], (dims[i], dims[i + 1]), dtype=jnp.float32) * (1.0 / np.sqrt(fan_in)); k += 1
        inp[f"b{i+1}"] = jnp.zeros((dims[i + 1],), jnp.float32)
        inp[f"g{i+1}"] = jnp.ones((dims[i + 1],), jnp.float32)
        inp[f"be{i+1}"] = jnp.zeros((dims[i + 1],), jnp.float32)
    inp["W3"] = jax.random.normal(ks[k], (LAYERS[-1], OUT), dtype=jnp.float32) * (1.0 / np.sqrt(LAYERS[-1]))
    inp["b3"] = jnp.zeros((OUT,), jnp.float32)
    return inp


def _bn_eval(h, g, b):
    # eval-mode BatchNorm1d with running_mean=0, running_var=1
    return h / jnp.sqrt(1.0 + EPS) * g + b


def reference(x, emb0, emb1, emb2, g_num, b_num, W1, b1, g1, be1, W2, b2, g2, be2, W3, b3):
    idx = x[:, :3].astype(jnp.int32)
    e = jnp.concatenate([
        jnp.take(emb0, idx[:, 0], axis=0),
        jnp.take(emb1, idx[:, 1], axis=0),
        jnp.take(emb2, idx[:, 2], axis=0),
    ], axis=1)
    # dropout is identity in eval mode
    xn = _bn_eval(x[:, 3:], g_num, b_num)
    h = jnp.concatenate([e, xn], axis=1)
    h = jnp.maximum(h @ W1 + b1, 0.0)
    h = _bn_eval(h, g1, be1)
    h = jnp.maximum(h @ W2 + b2, 0.0)
    h = _bn_eval(h, g2, be2)
    return h @ W3 + b3

if __name__ == "__main__":
    import jax
    _d = setup_inputs()
    print(jax.jit(kernel)(*tuple(_d.values())))

</pallas_src>

<mosaic_0001>
#map = affine_map<(d0, d1) -> (0)>
#map1 = affine_map<(d0, d1) -> (0, 0)>
module attributes {stable_mosaic.version = 14 : i64} {
  func.func @k(%arg0: i32, %arg1: i32, %arg2: memref<16384xi32, #tpu.memory_space<hbm>>, %arg3: memref<1000000x50xf32, #tpu.memory_space<hbm>>, %arg4: memref<16384x50xf32, #tpu.memory_space<hbm>>, %arg5: memref<512xi32, #tpu.memory_space<vmem>>, %arg6: memref<512x50xf32, #tpu.memory_space<vmem>>, %arg7: memref<!tpu.dma_semaphore, #tpu.memory_space<semaphore_mem>>, %arg8: memref<!tpu.dma_semaphore, #tpu.memory_space<semaphore_mem>>, %arg9: memref<!tpu.dma_semaphore, #tpu.memory_space<semaphore_mem>>, %arg10: memref<!tpu.dma_semaphore, #tpu.memory_space<semaphore_mem>>, %arg11: memref<!tpu.dma_semaphore, #tpu.memory_space<semaphore_mem>>, %arg12: memref<!tpu.dma_semaphore, #tpu.memory_space<semaphore_mem>>, %arg13: memref<!tpu.dma_semaphore, #tpu.memory_space<semaphore_mem>>, %arg14: memref<!tpu.dma_semaphore, #tpu.memory_space<semaphore_mem>>) attributes {dimension_semantics = [#tpu.dimension_semantics<core_parallel>, #tpu.dimension_semantics<subcore_parallel>], iteration_bounds = array<i64: 2, 16>, scalar_prefetch = 0 : i64, scratch_operands = 10 : i64, tpu.core_type = #tpu.core_type<sc_vector_subcore>, window_params = [{transform_indices = #map}, {transform_indices = #map1}, {transform_indices = #map1}]} {
    %mul3A = arith.constant 2 : i32
    %mul3A_0 = arith.muli %arg1, %mul3A : i32
    %add3A = arith.addi %mul3A_0, %arg0 : i32
    %mul3A_1 = arith.constant 512 : i32
    %mul3A_2 = arith.muli %add3A, %mul3A_1 : i32
    "tpu.region"() ({
      %run_scoped3A = tpu.sem_alloc : memref<!tpu.dma_semaphore, #tpu.memory_space<semaphore_mem>>
      %dma_start3A = tpu.memref_slice %arg2[%mul3A_2] : memref<16384xi32, #tpu.memory_space<hbm>> -> memref<512xi32, #tpu.memory_space<hbm>>
      %dma_start3A_86 = tpu.memref_slice %arg2[%mul3A_2] : memref<16384xi32, #tpu.memory_space<hbm>> -> memref<512xi32, #tpu.memory_space<hbm>>
      tpu.enqueue_dma source(%dma_start3A_86 : memref<512xi32, #tpu.memory_space<hbm>>) target(%arg5 : memref<512xi32, #tpu.memory_space<vmem>>) target_semaphore(%run_scoped3A : memref<!tpu.dma_semaphore, #tpu.memory_space<semaphore_mem>>)
      %dma_wait3A_87 = tpu.memref_slice %arg2[%mul3A_2] : memref<16384xi32, #tpu.memory_space<hbm>> -> memref<512xi32, #tpu.memory_space<hbm>>
      %dma_wait3A_88 = tpu.memref_slice %arg2[%mul3A_2] : memref<16384xi32, #tpu.memory_space<hbm>> -> memref<512xi32, #tpu.memory_space<hbm>>
      tpu.wait_dma2 semaphore(%run_scoped3A : memref<!tpu.dma_semaphore, #tpu.memory_space<semaphore_mem>>) src(%dma_wait3A_88 : memref<512xi32, #tpu.memory_space<hbm>>) dst(%arg5 : memref<512xi32, #tpu.memory_space<vmem>>)
      tpu.yield
    }) : () -> ()
    %scan3A = arith.constant 0 : i32
    %scan3A_3 = arith.constant 64 : i32
    %scan3A_4 = arith.addi %scan3A, %scan3A_3 : i32
    %scan3A_5 = arith.constant 1 : i32
    scf.for %scan3A_86 = %scan3A to %scan3A_4 step %scan3A_5  : i32 {
      %mul3A_87 = arith.constant 8 : i32
      %mul3A_88 = arith.muli %scan3A_86, %mul3A_87 : i32
      %add3A_89 = arith.constant 0 : i32
      %add3A_90 = arith.addi %add3A_89, %mul3A_88 : i32
      %add3A_91 = arith.constant 0 : i32
      %add3A_92 = arith.addi %add3A_90, %add3A_91 : i32
      %get3A = arith.index_cast %add3A_92 : i32 to index
      %get3A_93 = tpu.vector_load %arg5[%get3A] {strides = array<i32>} : memref<512xi32, #tpu.memory_space<vmem>>, vector<1xi32>,
      %get3A_94 = vector.shape_cast %get3A_93 : vector<1xi32> to vector<1xi32>
      %squeeze3A = vector.extract %get3A_94[0] : i32 from vector<1xi32>
      %add3A_95 = arith.constant 0 : i32
      %add3A_96 = arith.addi %add3A_90, %add3A_95 : i32
      %dma_start3A = arith.constant 0 : i32
      %dma_start3A_97 = tpu.memref_slice %arg6[%add3A_96, %dma_start3A] : memref<512x50xf32, #tpu.memory_space<vmem>> -> memref<1x50xf32, #tpu.memory_space<vmem>>
      %dma_start3A_98 = arith.constant 0 : i32
      %dma_start3A_99 = tpu.memref_slice %arg3[%squeeze3A, %dma_start3A_98] : memref<1000000x50xf32, #tpu.memory_space<hbm>> -> memref<1x50xf32, #tpu.memory_space<hbm>>
      %dma_start3A_100 = arith.constant 0 : i32
      %dma_start3A_101 = tpu.memref_slice %arg6[%add3A_96, %dma_start3A_100] : memref<512x50xf32, #tpu.memory_space<vmem>> -> memref<1x50xf32, #tpu.memory_space<vmem>>
      %dma_start3A_102 = arith.constant 0 : i32
      %dma_start3A_103 = tpu.memref_slice %arg3[%squeeze3A, %dma_start3A_102] : memref<1000000x50xf32, #tpu.memory_space<hbm>> -> memref<1x50xf32, #tpu.memory_space<hbm>>
      tpu.enqueue_dma source(%dma_start3A_103 : memref<1x50xf32, #tpu.memory_space<hbm>>) target(%dma_start3A_101 : memref<1x50xf32, #tpu.memory_space<vmem>>) target_semaphore(%arg7 : memref<!tpu.dma_semaphore, #tpu.memory_space<semaphore_mem>>)
      %add3A_104 = arith.constant 1 : i32
      %add3A_105 = arith.addi %add3A_90, %add3A_104 : i32
      %get3A_106 = arith.index_cast %add3A_105 : i32 to index
      %get3A_107 = tpu.vector_load %arg5[%get3A_106] {strides = array<i32>} : memref<512xi32, #tpu.memory_space<vmem>>, vector<1xi32>,
      %get3A_108 = vector.shape_cast %get3A_107 : vector<1xi32> to vector<1xi32>
      %squeeze3A_109 = vector.extract %get3A_108[0] : i32 from vector<1xi32>
      %add3A_110 = arith.constant 1 : i32
      %add3A_111 = arith.addi %add3A_90, %add3A_110 : i32
      %dma_start3A_112 = arith.constant 0 : i32
      %dma_start3A_113 = tpu.memref_slice %arg6[%add3A_111, %dma_start3A_112] : memref<512x50xf32, #tpu.memory_space<vmem>> -> memref<1x50xf32, #tpu.memory_space<vmem>>
      %dma_start3A_114 = arith.constant 0 : i32
      %dma_start3A_115 = tpu.memref_slice %arg3[%squeeze3A_109, %dma_start3A_114] : memref<1000000x50xf32, #tpu.memory_space<hbm>> -> memref<1x50xf32, #tpu.memory_space<hbm>>
      %dma_start3A_116 = arith.constant 0 : i32
      %dma_start3A_117 = tpu.memref_slice %arg6[%add3A_111, %dma_start3A_116] : memref<512x50xf32, #tpu.memory_space<vmem>> -> memref<1x50xf32, #tpu.memory_space<vmem>>
      %dma_start3A_118 = arith.constant 0 : i32
      %dma_start3A_119 = tpu.memref_slice %arg3[%squeeze3A_109, %dma_start3A_118] : memref<1000000x50xf32, #tpu.memory_space<hbm>> -> memref<1x50xf32, #tpu.memory_space<hbm>>
      tpu.enqueue_dma source(%dma_start3A_119 : memref<1x50xf32, #tpu.memory_space<hbm>>) target(%dma_start3A_117 : memref<1x50xf32, #tpu.memory_space<vmem>>) target_semaphore(%arg8 : memref<!tpu.dma_semaphore, #tpu.memory_space<semaphore_mem>>)
      %add3A_120 = arith.constant 2 : i32
      %add3A_121 = arith.addi %add3A_90, %add3A_120 : i32
      %get3A_122 = arith.index_cast %add3A_121 : i32 to index
      %get3A_123 = tpu.vector_load %arg5[%get3A_122] {strides = array<i32>} : memref<512xi32, #tpu.memory_space<vmem>>, vector<1xi32>,
      %get3A_124 = vector.shape_cast %get3A_123 : vector<1xi32> to vector<1xi32>
      %squeeze3A_125 = vector.extract %get3A_124[0] : i32 from vector<1xi32>
      %add3A_126 = arith.constant 2 : i32
      %add3A_127 = arith.addi %add3A_90, %add3A_126 : i32
      %dma_start3A_128 = arith.constant 0 : i32
      %dma_start3A_129 = tpu.memref_slice %arg6[%add3A_127, %dma_start3A_128] : memref<512x50xf32, #tpu.memory_space<vmem>> -> memref<1x50xf32, #tpu.memory_space<vmem>>
      %dma_start3A_130 = arith.constant 0 : i32
      %dma_start3A_131 = tpu.memref_slice %arg3[%squeeze3A_125, %dma_start3A_130] : memref<1000000x50xf32, #tpu.memory_space<hbm>> -> memref<1x50xf32, #tpu.memory_space<hbm>>
      %dma_start3A_132 = arith.constant 0 : i32
      %dma_start3A_133 = tpu.memref_slice %arg6[%add3A_127, %dma_start3A_132] : memref<512x50xf32, #tpu.memory_space<vmem>> -> memref<1x50xf32, #tpu.memory_space<vmem>>
      %dma_start3A_134 = arith.constant 0 : i32
      %dma_start3A_135 = tpu.memref_slice %arg3[%squeeze3A_125, %dma_start3A_134] : memref<1000000x50xf32, #tpu.memory_space<hbm>> -> memref<1x50xf32, #tpu.memory_space<hbm>>
      tpu.enqueue_dma source(%dma_start3A_135 : memref<1x50xf32, #tpu.memory_space<hbm>>) target(%dma_start3A_133 : memref<1x50xf32, #tpu.memory_space<vmem>>) target_semaphore(%arg9 : memref<!tpu.dma_semaphore, #tpu.memory_space<semaphore_mem>>)
      %add3A_136 = arith.constant 3 : i32
      %add3A_137 = arith.addi %add3A_90, %add3A_136 : i32
      %get3A_138 = arith.index_cast %add3A_137 : i32 to index
      %get3A_139 = tpu.vector_load %arg5[%get3A_138] {strides = array<i32>} : memref<512xi32, #tpu.memory_space<vmem>>, vector<1xi32>,
      %get3A_140 = vector.shape_cast %get3A_139 : vector<1xi32> to vector<1xi32>
      %squeeze3A_141 = vector.extract %get3A_140[0] : i32 from vector<1xi32>
      %add3A_142 = arith.constant 3 : i32
      %add3A_143 = arith.addi %add3A_90, %add3A_142 : i32
      %dma_start3A_144 = arith.constant 0 : i32
      %dma_start3A_145 = tpu.memref_slice %arg6[%add3A_143, %dma_start3A_144] : memref<512x50xf32, #tpu.memory_space<vmem>> -> memref<1x50xf32, #tpu.memory_space<vmem>>
      %dma_start3A_146 = arith.constant 0 : i32
      %dma_start3A_147 = tpu.memref_slice %arg3[%squeeze3A_141, %dma_start3A_146] : memref<1000000x50xf32, #tpu.memory_space<hbm>> -> memref<1x50xf32, #tpu.memory_space<hbm>>
      %dma_start3A_148 = arith.constant 0 : i32
      %dma_start3A_149 = tpu.memref_slice %arg6[%add3A_143, %dma_start3A_148] : memref<512x50xf32, #tpu.memory_space<vmem>> -> memref<1x50xf32, #tpu.memory_space<vmem>>
      %dma_start3A_150 = arith.constant 0 : i32
      %dma_start3A_151 = tpu.memref_slice %arg3[%squeeze3A_141, %dma_start3A_150] : memref<1000000x50xf32, #tpu.memory_space<hbm>> -> memref<1x50xf32, #tpu.memory_space<hbm>>
      tpu.enqueue_dma source(%dma_start3A_151 : memref<1x50xf32, #tpu.memory_space<hbm>>) target(%dma_start3A_149 : memref<1x50xf32, #tpu.memory_space<vmem>>) target_semaphore(%arg10 : memref<!tpu.dma_semaphore, #tpu.memory_space<semaphore_mem>>)
      %add3A_152 = arith.constant 4 : i32
      %add3A_153 = arith.addi %add3A_90, %add3A_152 : i32
      %get3A_154 = arith.index_cast %add3A_153 : i32 to index
      %get3A_155 = tpu.vector_load %arg5[%get3A_154] {strides = array<i32>} : memref<512xi32, #tpu.memory_space<vmem>>, vector<1xi32>,
      %get3A_156 = vector.shape_cast %get3A_155 : vector<1xi32> to vector<1xi32>
      %squeeze3A_157 = vector.extract %get3A_156[0] : i32 from vector<1xi32>
      %add3A_158 = arith.constant 4 : i32
      %add3A_159 = arith.addi %add3A_90, %add3A_158 : i32
      %dma_start3A_160 = arith.constant 0 : i32
      %dma_start3A_161 = tpu.memref_slice %arg6[%add3A_159, %dma_start3A_160] : memref<512x50xf32, #tpu.memory_space<vmem>> -> memref<1x50xf32, #tpu.memory_space<vmem>>
      %dma_start3A_162 = arith.constant 0 : i32
      %dma_start3A_163 = tpu.memref_slice %arg3[%squeeze3A_157, %dma_start3A_162] : memref<1000000x50xf32, #tpu.memory_space<hbm>> -> memref<1x50xf32, #tpu.memory_space<hbm>>
      %dma_start3A_164 = arith.constant 0 : i32
      %dma_start3A_165 = tpu.memref_slice %arg6[%add3A_159, %dma_start3A_164] : memref<512x50xf32, #tpu.memory_space<vmem>> -> memref<1x50xf32, #tpu.memory_space<vmem>>
      %dma_start3A_166 = arith.constant 0 : i32
      %dma_start3A_167 = tpu.memref_slice %arg3[%squeeze3A_157, %dma_start3A_166] : memref<1000000x50xf32, #tpu.memory_space<hbm>> -> memref<1x50xf32, #tpu.memory_space<hbm>>
      tpu.enqueue_dma source(%dma_start3A_167 : memref<1x50xf32, #tpu.memory_space<hbm>>) target(%dma_start3A_165 : memref<1x50xf32, #tpu.memory_space<vmem>>) target_semaphore(%arg11 : memref<!tpu.dma_semaphore, #tpu.memory_space<semaphore_mem>>)
      %add3A_168 = arith.constant 5 : i32
      %add3A_169 = arith.addi %add3A_90, %add3A_168 : i32
      %get3A_170 = arith.index_cast %add3A_169 : i32 to index
      %get3A_171 = tpu.vector_load %arg5[%get3A_170] {strides = array<i32>} : memref<512xi32, #tpu.memory_space<vmem>>, vector<1xi32>,
      %get3A_172 = vector.shape_cast %get3A_171 : vector<1xi32> to vector<1xi32>
      %squeeze3A_173 = vector.extract %get3A_172[0] : i32 from vector<1xi32>
      %add3A_174 = arith.constant 5 : i32
      %add3A_175 = arith.addi %add3A_90, %add3A_174 : i32
      %dma_start3A_176 = arith.constant 0 : i32
      %dma_start3A_177 = tpu.memref_slice %arg6[%add3A_175, %dma_start3A_176] : memref<512x50xf32, #tpu.memory_space<vmem>> -> memref<1x50xf32, #tpu.memory_space<vmem>>
      %dma_start3A_178 = arith.constant 0 : i32
      %dma_start3A_179 = tpu.memref_slice %arg3[%squeeze3A_173, %dma_start3A_178] : memref<1000000x50xf32, #tpu.memory_space<hbm>> -> memref<1x50xf32, #tpu.memory_space<hbm>>
      %dma_start3A_180 = arith.constant 0 : i32
      %dma_start3A_181 = tpu.memref_slice %arg6[%add3A_175, %dma_start3A_180] : memref<512x50xf32, #tpu.memory_space<vmem>> -> memref<1x50xf32, #tpu.memory_space<vmem>>
      %dma_start3A_182 = arith.constant 0 : i32
      %dma_start3A_183 = tpu.memref_slice %arg3[%squeeze3A_173, %dma_start3A_182] : memref<1000000x50xf32, #tpu.memory_space<hbm>> -> memref<1x50xf32, #tpu.memory_space<hbm>>
      tpu.enqueue_dma source(%dma_start3A_183 : memref<1x50xf32, #tpu.memory_space<hbm>>) target(%dma_start3A_181 : memref<1x50xf32, #tpu.memory_space<vmem>>) target_semaphore(%arg12 : memref<!tpu.dma_semaphore, #tpu.memory_space<semaphore_mem>>)
      %add3A_184 = arith.constant 6 : i32
      %add3A_185 = arith.addi %add3A_90, %add3A_184 : i32
      %get3A_186 = arith.index_cast %add3A_185 : i32 to index
      %get3A_187 = tpu.vector_load %arg5[%get3A_186] {strides = array<i32>} : memref<512xi32, #tpu.memory_space<vmem>>, vector<1xi32>,
      %get3A_188 = vector.shape_cast %get3A_187 : vector<1xi32> to vector<1xi32>
      %squeeze3A_189 = vector.extract %get3A_188[0] : i32 from vector<1xi32>
      %add3A_190 = arith.constant 6 : i32
      %add3A_191 = arith.addi %add3A_90, %add3A_190 : i32
      %dma_start3A_192 = arith.constant 0 : i32
      %dma_start3A_193 = tpu.memref_slice %arg6[%add3A_191, %dma_start3A_192] : memref<512x50xf32, #tpu.memory_space<vmem>> -> memref<1x50xf32, #tpu.memory_space<vmem>>
      %dma_start3A_194 = arith.constant 0 : i32
      %dma_start3A_195 = tpu.memref_slice %arg3[%squeeze3A_189, %dma_start3A_194] : memref<1000000x50xf32, #tpu.memory_space<hbm>> -> memref<1x50xf32, #tpu.memory_space<hbm>>
      %dma_start3A_196 = arith.constant 0 : i32
      %dma_start3A_197 = tpu.memref_slice %arg6[%add3A_191, %dma_start3A_196] : memref<512x50xf32, #tpu.memory_space<vmem>> -> memref<1x50xf32, #tpu.memory_space<vmem>>
      %dma_start3A_198 = arith.constant 0 : i32
      %dma_start3A_199 = tpu.memref_slice %arg3[%squeeze3A_189, %dma_start3A_198] : memref<1000000x50xf32, #tpu.memory_space<hbm>> -> memref<1x50xf32, #tpu.memory_space<hbm>>
      tpu.enqueue_dma source(%dma_start3A_199 : memref<1x50xf32, #tpu.memory_space<hbm>>) target(%dma_start3A_197 : memref<1x50xf32, #tpu.memory_space<vmem>>) target_semaphore(%arg13 : memref<!tpu.dma_semaphore, #tpu.memory_space<semaphore_mem>>)
      %add3A_200 = arith.constant 7 : i32
      %add3A_201 = arith.addi %add3A_90, %add3A_200 : i32
      %get3A_202 = arith.index_cast %add3A_201 : i32 to index
      %get3A_203 = tpu.vector_load %arg5[%get3A_202] {strides = array<i32>} : memref<512xi32, #tpu.memory_space<vmem>>, vector<1xi32>,
      %get3A_204 = vector.shape_cast %get3A_203 : vector<1xi32> to vector<1xi32>
      %squeeze3A_205 = vector.extract %get3A_204[0] : i32 from vector<1xi32>
      %add3A_206 = arith.constant 7 : i32
      %add3A_207 = arith.addi %add3A_90, %add3A_206 : i32
      %dma_start3A_208 = arith.constant 0 : i32
      %dma_start3A_209 = tpu.memref_slice %arg6[%add3A_207, %dma_start3A_208] : memref<512x50xf32, #tpu.memory_space<vmem>> -> memref<1x50xf32, #tpu.memory_space<vmem>>
      %dma_start3A_210 = arith.constant 0 : i32
      %dma_start3A_211 = tpu.memref_slice %arg3[%squeeze3A_205, %dma_start3A_210] : memref<1000000x50xf32, #tpu.memory_space<hbm>> -> memref<1x50xf32, #tpu.memory_space<hbm>>
      %dma_start3A_212 = arith.constant 0 : i32
      %dma_start3A_213 = tpu.memref_slice %arg6[%add3A_207, %dma_start3A_212] : memref<512x50xf32, #tpu.memory_space<vmem>> -> memref<1x50xf32, #tpu.memory_space<vmem>>
      %dma_start3A_214 = arith.constant 0 : i32
      %dma_start3A_215 = tpu.memref_slice %arg3[%squeeze3A_205, %dma_start3A_214] : memref<1000000x50xf32, #tpu.memory_space<hbm>> -> memref<1x50xf32, #tpu.memory_space<hbm>>
      tpu.enqueue_dma source(%dma_start3A_215 : memref<1x50xf32, #tpu.memory_space<hbm>>) target(%dma_start3A_213 : memref<1x50xf32, #tpu.memory_space<vmem>>) target_semaphore(%arg14 : memref<!tpu.dma_semaphore, #tpu.memory_space<semaphore_mem>>)
    }
    %scan3A_6 = arith.constant 64 : i32
    %dma_wait3A = arith.constant 0 : i32
    %dma_wait3A_7 = arith.constant 0 : i32
    %dma_wait3A_8 = tpu.memref_slice %arg6[%dma_wait3A, %dma_wait3A_7] : memref<512x50xf32, #tpu.memory_space<vmem>> -> memref<64x50xf32, #tpu.memory_space<vmem>>
    %dma_wait3A_9 = arith.constant 0 : i32
    %dma_wait3A_10 = tpu.memref_slice %arg4[%mul3A_2, %dma_wait3A_9] : memref<16384x50xf32, #tpu.memory_space<hbm>> -> memref<64x50xf32, #tpu.memory_space<hbm>>
    %dma_wait3A_11 = arith.constant 0 : i32
    %dma_wait3A_12 = arith.constant 0 : i32
    %dma_wait3A_13 = tpu.memref_slice %arg6[%dma_wait3A_11, %dma_wait3A_12] : memref<512x50xf32, #tpu.memory_space<vmem>> -> memref<64x50xf32, #tpu.memory_space<vmem>>
    %dma_wait3A_14 = arith.constant 0 : i32
    %dma_wait3A_15 = tpu.memref_slice %arg4[%mul3A_2, %dma_wait3A_14] : memref<16384x50xf32, #tpu.memory_space<hbm>> -> memref<64x50xf32, #tpu.memory_space<hbm>>
    tpu.wait_dma2 semaphore(%arg7 : memref<!tpu.dma_semaphore, #tpu.memory_space<semaphore_mem>>) src(%dma_wait3A_15 : memref<64x50xf32, #tpu.memory_space<hbm>>) dst(%dma_wait3A_13 : memref<64x50xf32, #tpu.memory_space<vmem>>)
    %dma_wait3A_16 = arith.constant 0 : i32
    %dma_wait3A_17 = arith.constant 0 : i32
    %dma_wait3A_18 = tpu.memref_slice %arg6[%dma_wait3A_16, %dma_wait3A_17] : memref<512x50xf32, #tpu.memory_space<vmem>> -> memref<64x50xf32, #tpu.memory_space<vmem>>
    %dma_wait3A_19 = arith.constant 0 : i32
    %dma_wait3A_20 = tpu.memref_slice %arg4[%mul3A_2, %dma_wait3A_19] : memref<16384x50xf32, #tpu.memory_space<hbm>> -> memref<64x50xf32, #tpu.memory_space<hbm>>
    %dma_wait3A_21 = arith.constant 0 : i32
    %dma_wait3A_22 = arith.constant 0 : i32
    %dma_wait3A_23 = tpu.memref_slice %arg6[%dma_wait3A_21, %dma_wait3A_22] : memref<512x50xf32, #tpu.memory_space<vmem>> -> memref<64x50xf32, #tpu.memory_space<vmem>>
    %dma_wait3A_24 = arith.constant 0 : i32
    %dma_wait3A_25 = tpu.memref_slice %arg4[%mul3A_2, %dma_wait3A_24] : memref<16384x50xf32, #tpu.memory_space<hbm>> -> memref<64x50xf32, #tpu.memory_space<hbm>>
    tpu.wait_dma2 semaphore(%arg8 : memref<!tpu.dma_semaphore, #tpu.memory_space<semaphore_mem>>) src(%dma_wait3A_25 : memref<64x50xf32, #tpu.memory_space<hbm>>) dst(%dma_wait3A_23 : memref<64x50xf32, #tpu.memory_space<vmem>>)
    %dma_wait3A_26 = arith.constant 0 : i32
    %dma_wait3A_27 = arith.constant 0 : i32
    %dma_wait3A_28 = tpu.memref_slice %arg6[%dma_wait3A_26, %dma_wait3A_27] : memref<512x50xf32, #tpu.memory_space<vmem>> -> memref<64x50xf32, #tpu.memory_space<vmem>>
    %dma_wait3A_29 = arith.constant 0 : i32
    %dma_wait3A_30 = tpu.memref_slice %arg4[%mul3A_2, %dma_wait3A_29] : memref<16384x50xf32, #tpu.memory_space<hbm>> -> memref<64x50xf32, #tpu.memory_space<hbm>>
    %dma_wait3A_31 = arith.constant 0 : i32
    %dma_wait3A_32 = arith.constant 0 : i32
    %dma_wait3A_33 = tpu.memref_slice %arg6[%dma_wait3A_31, %dma_wait3A_32] : memref<512x50xf32, #tpu.memory_space<vmem>> -> memref<64x50xf32, #tpu.memory_space<vmem>>
    %dma_wait3A_34 = arith.constant 0 : i32
    %dma_wait3A_35 = tpu.memref_slice %arg4[%mul3A_2, %dma_wait3A_34] : memref<16384x50xf32, #tpu.memory_space<hbm>> -> memref<64x50xf32, #tpu.memory_space<hbm>>
    tpu.wait_dma2 semaphore(%arg9 : memref<!tpu.dma_semaphore, #tpu.memory_space<semaphore_mem>>) src(%dma_wait3A_35 : memref<64x50xf32, #tpu.memory_space<hbm>>) dst(%dma_wait3A_33 : memref<64x50xf32, #tpu.memory_space<vmem>>)
    %dma_wait3A_36 = arith.constant 0 : i32
    %dma_wait3A_37 = arith.constant 0 : i32
    %dma_wait3A_38 = tpu.memref_slice %arg6[%dma_wait3A_36, %dma_wait3A_37] : memref<512x50xf32, #tpu.memory_space<vmem>> -> memref<64x50xf32, #tpu.memory_space<vmem>>
    %dma_wait3A_39 = arith.constant 0 : i32
    %dma_wait3A_40 = tpu.memref_slice %arg4[%mul3A_2, %dma_wait3A_39] : memref<16384x50xf32, #tpu.memory_space<hbm>> -> memref<64x50xf32, #tpu.memory_space<hbm>>
    %dma_wait3A_41 = arith.constant 0 : i32
    %dma_wait3A_42 = arith.constant 0 : i32
    %dma_wait3A_43 = tpu.memref_slice %arg6[%dma_wait3A_41, %dma_wait3A_42] : memref<512x50xf32, #tpu.memory_space<vmem>> -> memref<64x50xf32, #tpu.memory_space<vmem>>
    %dma_wait3A_44 = arith.constant 0 : i32
    %dma_wait3A_45 = tpu.memref_slice %arg4[%mul3A_2, %dma_wait3A_44] : memref<16384x50xf32, #tpu.memory_space<hbm>> -> memref<64x50xf32, #tpu.memory_space<hbm>>
    tpu.wait_dma2 semaphore(%arg10 : memref<!tpu.dma_semaphore, #tpu.memory_space<semaphore_mem>>) src(%dma_wait3A_45 : memref<64x50xf32, #tpu.memory_space<hbm>>) dst(%dma_wait3A_43 : memref<64x50xf32, #tpu.memory_space<vmem>>)
    %dma_wait3A_46 = arith.constant 0 : i32
    %dma_wait3A_47 = arith.constant 0 : i32
    %dma_wait3A_48 = tpu.memref_slice %arg6[%dma_wait3A_46, %dma_wait3A_47] : memref<512x50xf32, #tpu.memory_space<vmem>> -> memref<64x50xf32, #tpu.memory_space<vmem>>
    %dma_wait3A_49 = arith.constant 0 : i32
    %dma_wait3A_50 = tpu.memref_slice %arg4[%mul3A_2, %dma_wait3A_49] : memref<16384x50xf32, #tpu.memory_space<hbm>> -> memref<64x50xf32, #tpu.memory_space<hbm>>
    %dma_wait3A_51 = arith.constant 0 : i32
    %dma_wait3A_52 = arith.constant 0 : i32
    %dma_wait3A_53 = tpu.memref_slice %arg6[%dma_wait3A_51, %dma_wait3A_52] : memref<512x50xf32, #tpu.memory_space<vmem>> -> memref<64x50xf32, #tpu.memory_space<vmem>>
    %dma_wait3A_54 = arith.constant 0 : i32
    %dma_wait3A_55 = tpu.memref_slice %arg4[%mul3A_2, %dma_wait3A_54] : memref<16384x50xf32, #tpu.memory_space<hbm>> -> memref<64x50xf32, #tpu.memory_space<hbm>>
    tpu.wait_dma2 semaphore(%arg11 : memref<!tpu.dma_semaphore, #tpu.memory_space<semaphore_mem>>) src(%dma_wait3A_55 : memref<64x50xf32, #tpu.memory_space<hbm>>) dst(%dma_wait3A_53 : memref<64x50xf32, #tpu.memory_space<vmem>>)
    %dma_wait3A_56 = arith.constant 0 : i32
    %dma_wait3A_57 = arith.constant 0 : i32
    %dma_wait3A_58 = tpu.memref_slice %arg6[%dma_wait3A_56, %dma_wait3A_57] : memref<512x50xf32, #tpu.memory_space<vmem>> -> memref<64x50xf32, #tpu.memory_space<vmem>>
    %dma_wait3A_59 = arith.constant 0 : i32
    %dma_wait3A_60 = tpu.memref_slice %arg4[%mul3A_2, %dma_wait3A_59] : memref<16384x50xf32, #tpu.memory_space<hbm>> -> memref<64x50xf32, #tpu.memory_space<hbm>>
    %dma_wait3A_61 = arith.constant 0 : i32
    %dma_wait3A_62 = arith.constant 0 : i32
    %dma_wait3A_63 = tpu.memref_slice %arg6[%dma_wait3A_61, %dma_wait3A_62] : memref<512x50xf32, #tpu.memory_space<vmem>> -> memref<64x50xf32, #tpu.memory_space<vmem>>
    %dma_wait3A_64 = arith.constant 0 : i32
    %dma_wait3A_65 = tpu.memref_slice %arg4[%mul3A_2, %dma_wait3A_64] : memref<16384x50xf32, #tpu.memory_space<hbm>> -> memref<64x50xf32, #tpu.memory_space<hbm>>
    tpu.wait_dma2 semaphore(%arg12 : memref<!tpu.dma_semaphore, #tpu.memory_space<semaphore_mem>>) src(%dma_wait3A_65 : memref<64x50xf32, #tpu.memory_space<hbm>>) dst(%dma_wait3A_63 : memref<64x50xf32, #tpu.memory_space<vmem>>)
    %dma_wait3A_66 = arith.constant 0 : i32
    %dma_wait3A_67 = arith.constant 0 : i32
    %dma_wait3A_68 = tpu.memref_slice %arg6[%dma_wait3A_66, %dma_wait3A_67] : memref<512x50xf32, #tpu.memory_space<vmem>> -> memref<64x50xf32, #tpu.memory_space<vmem>>
    %dma_wait3A_69 = arith.constant 0 : i32
    %dma_wait3A_70 = tpu.memref_slice %arg4[%mul3A_2, %dma_wait3A_69] : memref<16384x50xf32, #tpu.memory_space<hbm>> -> memref<64x50xf32, #tpu.memory_space<hbm>>
    %dma_wait3A_71 = arith.constant 0 : i32
    %dma_wait3A_72 = arith.constant 0 : i32
    %dma_wait3A_73 = tpu.memref_slice %arg6[%dma_wait3A_71, %dma_wait3A_72] : memref<512x50xf32, #tpu.memory_space<vmem>> -> memref<64x50xf32, #tpu.memory_space<vmem>>
    %dma_wait3A_74 = arith.constant 0 : i32
    %dma_wait3A_75 = tpu.memref_slice %arg4[%mul3A_2, %dma_wait3A_74] : memref<16384x50xf32, #tpu.memory_space<hbm>> -> memref<64x50xf32, #tpu.memory_space<hbm>>
    tpu.wait_dma2 semaphore(%arg13 : memref<!tpu.dma_semaphore, #tpu.memory_space<semaphore_mem>>) src(%dma_wait3A_75 : memref<64x50xf32, #tpu.memory_space<hbm>>) dst(%dma_wait3A_73 : memref<64x50xf32, #tpu.memory_space<vmem>>)
    %dma_wait3A_76 = arith.constant 0 : i32
    %dma_wait3A_77 = arith.constant 0 : i32
    %dma_wait3A_78 = tpu.memref_slice %arg6[%dma_wait3A_76, %dma_wait3A_77] : memref<512x50xf32, #tpu.memory_space<vmem>> -> memref<64x50xf32, #tpu.memory_space<vmem>>
    %dma_wait3A_79 = arith.constant 0 : i32
    %dma_wait3A_80 = tpu.memref_slice %arg4[%mul3A_2, %dma_wait3A_79] : memref<16384x50xf32, #tpu.memory_space<hbm>> -> memref<64x50xf32, #tpu.memory_space<hbm>>
    %dma_wait3A_81 = arith.constant 0 : i32
    %dma_wait3A_82 = arith.constant 0 : i32
    %dma_wait3A_83 = tpu.memref_slice %arg6[%dma_wait3A_81, %dma_wait3A_82] : memref<512x50xf32, #tpu.memory_space<vmem>> -> memref<64x50xf32, #tpu.memory_space<vmem>>
    %dma_wait3A_84 = arith.constant 0 : i32
    %dma_wait3A_85 = tpu.memref_slice %arg4[%mul3A_2, %dma_wait3A_84] : memref<16384x50xf32, #tpu.memory_space<hbm>> -> memref<64x50xf32, #tpu.memory_space<hbm>>
    tpu.wait_dma2 semaphore(%arg14 : memref<!tpu.dma_semaphore, #tpu.memory_space<semaphore_mem>>) src(%dma_wait3A_85 : memref<64x50xf32, #tpu.memory_space<hbm>>) dst(%dma_wait3A_83 : memref<64x50xf32, #tpu.memory_space<vmem>>)
    "tpu.region"() ({
      %run_scoped3A = tpu.sem_alloc : memref<!tpu.dma_semaphore, #tpu.memory_space<semaphore_mem>>
      %dma_start3A = arith.constant 0 : i32
      %dma_start3A_86 = tpu.memref_slice %arg4[%mul3A_2, %dma_start3A] : memref<16384x50xf32, #tpu.memory_space<hbm>> -> memref<512x50xf32, #tpu.memory_space<hbm>>
      %dma_start3A_87 = arith.constant 0 : i32
      %dma_start3A_88 = tpu.memref_slice %arg4[%mul3A_2, %dma_start3A_87] : memref<16384x50xf32, #tpu.memory_space<hbm>> -> memref<512x50xf32, #tpu.memory_space<hbm>>
      tpu.enqueue_dma source(%arg6 : memref<512x50xf32, #tpu.memory_space<vmem>>) target(%dma_start3A_88 : memref<512x50xf32, #tpu.memory_space<hbm>>) target_semaphore(%run_scoped3A : memref<!tpu.dma_semaphore, #tpu.memory_space<semaphore_mem>>)
      %dma_wait3A_89 = arith.constant 0 : i32
      %dma_wait3A_90 = tpu.memref_slice %arg4[%mul3A_2, %dma_wait3A_89] : memref<16384x50xf32, #tpu.memory_space<hbm>> -> memref<512x50xf32, #tpu.memory_space<hbm>>
      %dma_wait3A_91 = arith.constant 0 : i32
      %dma_wait3A_92 = tpu.memref_slice %arg4[%mul3A_2, %dma_wait3A_91] : memref<16384x50xf32, #tpu.memory_space<hbm>> -> memref<512x50xf32, #tpu.memory_space<hbm>>
      tpu.wait_dma2 semaphore(%run_scoped3A : memref<!tpu.dma_semaphore, #tpu.memory_space<semaphore_mem>>) src(%arg6 : memref<512x50xf32, #tpu.memory_space<vmem>>) dst(%dma_wait3A_92 : memref<512x50xf32, #tpu.memory_space<hbm>>)
      tpu.yield
    }) : () -> ()
    return
  }
}

#map = affine_map<(d0, d1) -> (0)>
#map1 = affine_map<(d0, d1) -> (0, 0)>
module attributes {stable_mosaic.version = 14 : i64} {
  func.func @k(%arg0: i32, %arg1: i32, %arg2: memref<16384xi32, #tpu.memory_space<hbm>>, %arg3: memref<16384xi32, #tpu.memory_space<hbm>>, %arg4: memref<100000x50xf32, #tpu.memory_space<hbm>>, %arg5: memref<100000x50xf32, #tpu.memory_space<hbm>>, %arg6: memref<16384x50xf32, #tpu.memory_space<hbm>>, %arg7: memref<16384x50xf32, #tpu.memory_space<hbm>>, %arg8: memref<512xi32, #tpu.memory_space<vmem>>, %arg9: memref<512x50xf32, #tpu.memory_space<vmem>>, %arg10: memref<!tpu.dma_semaphore, #tpu.memory_space<semaphore_mem>>, %arg11: memref<!tpu.dma_semaphore, #tpu.memory_space<semaphore_mem>>, %arg12: memref<!tpu.dma_semaphore, #tpu.memory_space<semaphore_mem>>, %arg13: memref<!tpu.dma_semaphore, #tpu.memory_space<semaphore_mem>>, %arg14: memref<!tpu.dma_semaphore, #tpu.memory_space<semaphore_mem>>, %arg15: memref<!tpu.dma_semaphore, #tpu.memory_space<semaphore_mem>>, %arg16: memref<!tpu.dma_semaphore, #tpu.memory_space<semaphore_mem>>, %arg17: memref<!tpu.dma_semaphore, #tpu.memory_space<semaphore_mem>>) attributes {dimension_semantics = [#tpu.dimension_semantics<core_parallel>, #tpu.dimension_semantics<subcore_parallel>], iteration_bounds = array<i64: 2, 16>, scalar_prefetch = 0 : i64, scratch_operands = 10 : i64, tpu.core_type = #tpu.core_type<sc_vector_subcore>, window_params = [{transform_indices = #map}, {transform_indices = #map}, {transform_indices = #map1}, {transform_indices = #map1}, {transform_indices = #map1}, {transform_indices = #map1}]} {
    %mul3A = arith.constant 2 : i32
    %mul3A_0 = arith.muli %arg1, %mul3A : i32
    %add3A = arith.addi %mul3A_0, %arg0 : i32
    %mul3A_1 = arith.constant 512 : i32
    %mul3A_2 = arith.muli %add3A, %mul3A_1 : i32
    "tpu.region"() ({
      %run_scoped3A = tpu.sem_alloc : memref<!tpu.dma_semaphore, #tpu.memory_space<semaphore_mem>>
      %dma_start3A = tpu.memref_slice %arg2[%mul3A_2] : memref<16384xi32, #tpu.memory_space<hbm>> -> memref<512xi32, #tpu.memory_space<hbm>>
      %dma_start3A_171 = tpu.memref_slice %arg2[%mul3A_2] : memref<16384xi32, #tpu.memory_space<hbm>> -> memref<512xi32, #tpu.memory_space<hbm>>
      tpu.enqueue_dma source(%dma_start3A_171 : memref<512xi32, #tpu.memory_space<hbm>>) target(%arg8 : memref<512xi32, #tpu.memory_space<vmem>>) target_semaphore(%run_scoped3A : memref<!tpu.dma_semaphore, #tpu.memory_space<semaphore_mem>>)
      %dma_wait3A_172 = tpu.memref_slice %arg2[%mul3A_2] : memref<16384xi32, #tpu.memory_space<hbm>> -> memref<512xi32, #tpu.memory_space<hbm>>
      %dma_wait3A_173 = tpu.memref_slice %arg2[%mul3A_2] : memref<16384xi32, #tpu.memory_space<hbm>> -> memref<512xi32, #tpu.memory_space<hbm>>
      tpu.wait_dma2 semaphore(%run_scoped3A : memref<!tpu.dma_semaphore, #tpu.memory_space<semaphore_mem>>) src(%dma_wait3A_173 : memref<512xi32, #tpu.memory_space<hbm>>) dst(%arg8 : memref<512xi32, #tpu.memory_space<vmem>>)
      tpu.yield
    }) : () -> ()
    %scan3A = arith.constant 0 : i32
    %scan3A_3 = arith.constant 64 : i32
    %scan3A_4 = arith.addi %scan3A, %scan3A_3 : i32
    %scan3A_5 = arith.constant 1 : i32
    scf.for %scan3A_171 = %scan3A to %scan3A_4 step %scan3A_5  : i32 {
      %mul3A_172 = arith.constant 8 : i32
      %mul3A_173 = arith.muli %scan3A_171, %mul3A_172 : i32
      %add3A_174 = arith.constant 0 : i32
      %add3A_175 = arith.addi %add3A_174, %mul3A_173 : i32
      %add3A_176 = arith.constant 0 : i32
      %add3A_177 = arith.addi %add3A_175, %add3A_176 : i32
      %get3A = arith.index_cast %add3A_177 : i32 to index
      %get3A_178 = tpu.vector_load %arg8[%get3A] {strides = array<i32>} : memref<512xi32, #tpu.memory_space<vmem>>, vector<1xi32>,
      %get3A_179 = vector.shape_cast %get3A_178 : vector<1xi32> to vector<1xi32>
      %squeeze3A = vector.extract %get3A_179[0] : i32 from vector<1xi32>
      %add3A_180 = arith.constant 0 : i32
      %add3A_181 = arith.addi %add3A_175, %add3A_180 : i32
      %dma_start3A = arith.constant 0 : i32
      %dma_start3A_182 = tpu.memref_slice %arg9[%add3A_181, %dma_start3A] : memref<512x50xf32, #tpu.memory_space<vmem>> -> memref<1x50xf32, #tpu.memory_space<vmem>>
      %dma_start3A_183 = arith.constant 0 : i32
      %dma_start3A_184 = tpu.memref_slice %arg4[%squeeze3A, %dma_start3A_183] : memref<100000x50xf32, #tpu.memory_space<hbm>> -> memref<1x50xf32, #tpu.memory_space<hbm>>
      %dma_start3A_185 = arith.constant 0 : i32
      %dma_start3A_186 = tpu.memref_slice %arg9[%add3A_181, %dma_start3A_185] : memref<512x50xf32, #tpu.memory_space<vmem>> -> memref<1x50xf32, #tpu.memory_space<vmem>>
      %dma_start3A_187 = arith.constant 0 : i32
      %dma_start3A_188 = tpu.memref_slice %arg4[%squeeze3A, %dma_start3A_187] : memref<100000x50xf32, #tpu.memory_space<hbm>> -> memref<1x50xf32, #tpu.memory_space<hbm>>
      tpu.enqueue_dma source(%dma_start3A_188 : memref<1x50xf32, #tpu.memory_space<hbm>>) target(%dma_start3A_186 : memref<1x50xf32, #tpu.memory_space<vmem>>) target_semaphore(%arg10 : memref<!tpu.dma_semaphore, #tpu.memory_space<semaphore_mem>>)
      %add3A_189 = arith.constant 1 : i32
      %add3A_190 = arith.addi %add3A_175, %add3A_189 : i32
      %get3A_191 = arith.index_cast %add3A_190 : i32 to index
      %get3A_192 = tpu.vector_load %arg8[%get3A_191] {strides = array<i32>} : memref<512xi32, #tpu.memory_space<vmem>>, vector<1xi32>,
      %get3A_193 = vector.shape_cast %get3A_192 : vector<1xi32> to vector<1xi32>
      %squeeze3A_194 = vector.extract %get3A_193[0] : i32 from vector<1xi32>
      %add3A_195 = arith.constant 1 : i32
      %add3A_196 = arith.addi %add3A_175, %add3A_195 : i32
      %dma_start3A_197 = arith.constant 0 : i32
      %dma_start3A_198 = tpu.memref_slice %arg9[%add3A_196, %dma_start3A_197] : memref<512x50xf32, #tpu.memory_space<vmem>> -> memref<1x50xf32, #tpu.memory_space<vmem>>
      %dma_start3A_199 = arith.constant 0 : i32
      %dma_start3A_200 = tpu.memref_slice %arg4[%squeeze3A_194, %dma_start3A_199] : memref<100000x50xf32, #tpu.memory_space<hbm>> -> memref<1x50xf32, #tpu.memory_space<hbm>>
      %dma_start3A_201 = arith.constant 0 : i32
      %dma_start3A_202 = tpu.memref_slice %arg9[%add3A_196, %dma_start3A_201] : memref<512x50xf32, #tpu.memory_space<vmem>> -> memref<1x50xf32, #tpu.memory_space<vmem>>
      %dma_start3A_203 = arith.constant 0 : i32
      %dma_start3A_204 = tpu.memref_slice %arg4[%squeeze3A_194, %dma_start3A_203] : memref<100000x50xf32, #tpu.memory_space<hbm>> -> memref<1x50xf32, #tpu.memory_space<hbm>>
      tpu.enqueue_dma source(%dma_start3A_204 : memref<1x50xf32, #tpu.memory_space<hbm>>) target(%dma_start3A_202 : memref<1x50xf32, #tpu.memory_space<vmem>>) target_semaphore(%arg11 : memref<!tpu.dma_semaphore, #tpu.memory_space<semaphore_mem>>)
      %add3A_205 = arith.constant 2 : i32
      %add3A_206 = arith.addi %add3A_175, %add3A_205 : i32
      %get3A_207 = arith.index_cast %add3A_206 : i32 to index
      %get3A_208 = tpu.vector_load %arg8[%get3A_207] {strides = array<i32>} : memref<512xi32, #tpu.memory_space<vmem>>, vector<1xi32>,
      %get3A_209 = vector.shape_cast %get3A_208 : vector<1xi32> to vector<1xi32>
      %squeeze3A_210 = vector.extract %get3A_209[0] : i32 from vector<1xi32>
      %add3A_211 = arith.constant 2 : i32
      %add3A_212 = arith.addi %add3A_175, %add3A_211 : i32
      %dma_start3A_213 = arith.constant 0 : i32
      %dma_start3A_214 = tpu.memref_slice %arg9[%add3A_212, %dma_start3A_213] : memref<512x50xf32, #tpu.memory_space<vmem>> -> memref<1x50xf32, #tpu.memory_space<vmem>>
      %dma_start3A_215 = arith.constant 0 : i32
      %dma_start3A_216 = tpu.memref_slice %arg4[%squeeze3A_210, %dma_start3A_215] : memref<100000x50xf32, #tpu.memory_space<hbm>> -> memref<1x50xf32, #tpu.memory_space<hbm>>
      %dma_start3A_217 = arith.constant 0 : i32
      %dma_start3A_218 = tpu.memref_slice %arg9[%add3A_212, %dma_start3A_217] : memref<512x50xf32, #tpu.memory_space<vmem>> -> memref<1x50xf32, #tpu.memory_space<vmem>>
      %dma_start3A_219 = arith.constant 0 : i32
      %dma_start3A_220 = tpu.memref_slice %arg4[%squeeze3A_210, %dma_start3A_219] : memref<100000x50xf32, #tpu.memory_space<hbm>> -> memref<1x50xf32, #tpu.memory_space<hbm>>
      tpu.enqueue_dma source(%dma_start3A_220 : memref<1x50xf32, #tpu.memory_space<hbm>>) target(%dma_start3A_218 : memref<1x50xf32, #tpu.memory_space<vmem>>) target_semaphore(%arg12 : memref<!tpu.dma_semaphore, #tpu.memory_space<semaphore_mem>>)
      %add3A_221 = arith.constant 3 : i32
      %add3A_222 = arith.addi %add3A_175, %add3A_221 : i32
      %get3A_223 = arith.index_cast %add3A_222 : i32 to index
      %get3A_224 = tpu.vector_load %arg8[%get3A_223] {strides = array<i32>} : memref<512xi32, #tpu.memory_space<vmem>>, vector<1xi32>,
      %get3A_225 = vector.shape_cast %get3A_224 : vector<1xi32> to vector<1xi32>
      %squeeze3A_226 = vector.extract %get3A_225[0] : i32 from vector<1xi32>
      %add3A_227 = arith.constant 3 : i32
      %add3A_228 = arith.addi %add3A_175, %add3A_227 : i32
      %dma_start3A_229 = arith.constant 0 : i32
      %dma_start3A_230 = tpu.memref_slice %arg9[%add3A_228, %dma_start3A_229] : memref<512x50xf32, #tpu.memory_space<vmem>> -> memref<1x50xf32, #tpu.memory_space<vmem>>
      %dma_start3A_231 = arith.constant 0 : i32
      %dma_start3A_232 = tpu.memref_slice %arg4[%squeeze3A_226, %dma_start3A_231] : memref<100000x50xf32, #tpu.memory_space<hbm>> -> memref<1x50xf32, #tpu.memory_space<hbm>>
      %dma_start3A_233 = arith.constant 0 : i32
      %dma_start3A_234 = tpu.memref_slice %arg9[%add3A_228, %dma_start3A_233] : memref<512x50xf32, #tpu.memory_space<vmem>> -> memref<1x50xf32, #tpu.memory_space<vmem>>
      %dma_start3A_235 = arith.constant 0 : i32
      %dma_start3A_236 = tpu.memref_slice %arg4[%squeeze3A_226, %dma_start3A_235] : memref<100000x50xf32, #tpu.memory_space<hbm>> -> memref<1x50xf32, #tpu.memory_space<hbm>>
      tpu.enqueue_dma source(%dma_start3A_236 : memref<1x50xf32, #tpu.memory_space<hbm>>) target(%dma_start3A_234 : memref<1x50xf32, #tpu.memory_space<vmem>>) target_semaphore(%arg13 : memref<!tpu.dma_semaphore, #tpu.memory_space<semaphore_mem>>)
      %add3A_237 = arith.constant 4 : i32
      %add3A_238 = arith.addi %add3A_175, %add3A_237 : i32
      %get3A_239 = arith.index_cast %add3A_238 : i32 to index
      %get3A_240 = tpu.vector_load %arg8[%get3A_239] {strides = array<i32>} : memref<512xi32, #tpu.memory_space<vmem>>, vector<1xi32>,
      %get3A_241 = vector.shape_cast %get3A_240 : vector<1xi32> to vector<1xi32>
      %squeeze3A_242 = vector.extract %get3A_241[0] : i32 from vector<1xi32>
      %add3A_243 = arith.constant 4 : i32
      %add3A_244 = arith.addi %add3A_175, %add3A_243 : i32
      %dma_start3A_245 = arith.constant 0 : i32
      %dma_start3A_246 = tpu.memref_slice %arg9[%add3A_244, %dma_start3A_245] : memref<512x50xf32, #tpu.memory_space<vmem>> -> memref<1x50xf32, #tpu.memory_space<vmem>>
      %dma_start3A_247 = arith.constant 0 : i32
      %dma_start3A_248 = tpu.memref_slice %arg4[%squeeze3A_242, %dma_start3A_247] : memref<100000x50xf32, #tpu.memory_space<hbm>> -> memref<1x50xf32, #tpu.memory_space<hbm>>
      %dma_start3A_249 = arith.constant 0 : i32
      %dma_start3A_250 = tpu.memref_slice %arg9[%add3A_244, %dma_start3A_249] : memref<512x50xf32, #tpu.memory_space<vmem>> -> memref<1x50xf32, #tpu.memory_space<vmem>>
      %dma_start3A_251 = arith.constant 0 : i32
      %dma_start3A_252 = tpu.memref_slice %arg4[%squeeze3A_242, %dma_start3A_251] : memref<100000x50xf32, #tpu.memory_space<hbm>> -> memref<1x50xf32, #tpu.memory_space<hbm>>
      tpu.enqueue_dma source(%dma_start3A_252 : memref<1x50xf32, #tpu.memory_space<hbm>>) target(%dma_start3A_250 : memref<1x50xf32, #tpu.memory_space<vmem>>) target_semaphore(%arg14 : memref<!tpu.dma_semaphore, #tpu.memory_space<semaphore_mem>>)
      %add3A_253 = arith.constant 5 : i32
      %add3A_254 = arith.addi %add3A_175, %add3A_253 : i32
      %get3A_255 = arith.index_cast %add3A_254 : i32 to index
      %get3A_256 = tpu.vector_load %arg8[%get3A_255] {strides = array<i32>} : memref<512xi32, #tpu.memory_space<vmem>>, vector<1xi32>,
      %get3A_257 = vector.shape_cast %get3A_256 : vector<1xi32> to vector<1xi32>
      %squeeze3A_258 = vector.extract %get3A_257[0] : i32 from vector<1xi32>
      %add3A_259 = arith.constant 5 : i32
      %add3A_260 = arith.addi %add3A_175, %add3A_259 : i32
      %dma_start3A_261 = arith.constant 0 : i32
      %dma_start3A_262 = tpu.memref_slice %arg9[%add3A_260, %dma_start3A_261] : memref<512x50xf32, #tpu.memory_space<vmem>> -> memref<1x50xf32, #tpu.memory_space<vmem>>
      %dma_start3A_263 = arith.constant 0 : i32
      %dma_start3A_264 = tpu.memref_slice %arg4[%squeeze3A_258, %dma_start3A_263] : memref<100000x50xf32, #tpu.memory_space<hbm>> -> memref<1x50xf32, #tpu.memory_space<hbm>>
      %dma_start3A_265 = arith.constant 0 : i32
      %dma_start3A_266 = tpu.memref_slice %arg9[%add3A_260, %dma_start3A_265] : memref<512x50xf32, #tpu.memory_space<vmem>> -> memref<1x50xf32, #tpu.memory_space<vmem>>
      %dma_start3A_267 = arith.constant 0 : i32
      %dma_start3A_268 = tpu.memref_slice %arg4[%squeeze3A_258, %dma_start3A_267] : memref<100000x50xf32, #tpu.memory_space<hbm>> -> memref<1x50xf32, #tpu.memory_space<hbm>>
      tpu.enqueue_dma source(%dma_start3A_268 : memref<1x50xf32, #tpu.memory_space<hbm>>) target(%dma_start3A_266 : memref<1x50xf32, #tpu.memory_space<vmem>>) target_semaphore(%arg15 : memref<!tpu.dma_semaphore, #tpu.memory_space<semaphore_mem>>)
      %add3A_269 = arith.constant 6 : i32
      %add3A_270 = arith.addi %add3A_175, %add3A_269 : i32
      %get3A_271 = arith.index_cast %add3A_270 : i32 to index
      %get3A_272 = tpu.vector_load %arg8[%get3A_271] {strides = array<i32>} : memref<512xi32, #tpu.memory_space<vmem>>, vector<1xi32>,
      %get3A_273 = vector.shape_cast %get3A_272 : vector<1xi32> to vector<1xi32>
      %squeeze3A_274 = vector.extract %get3A_273[0] : i32 from vector<1xi32>
      %add3A_275 = arith.constant 6 : i32
      %add3A_276 = arith.addi %add3A_175, %add3A_275 : i32
      %dma_start3A_277 = arith.constant 0 : i32
      %dma_start3A_278 = tpu.memref_slice %arg9[%add3A_276, %dma_start3A_277] : memref<512x50xf32, #tpu.memory_space<vmem>> -> memref<1x50xf32, #tpu.memory_space<vmem>>
      %dma_start3A_279 = arith.constant 0 : i32
      %dma_start3A_280 = tpu.memref_slice %arg4[%squeeze3A_274, %dma_start3A_279] : memref<100000x50xf32, #tpu.memory_space<hbm>> -> memref<1x50xf32, #tpu.memory_space<hbm>>
      %dma_start3A_281 = arith.constant 0 : i32
      %dma_start3A_282 = tpu.memref_slice %arg9[%add3A_276, %dma_start3A_281] : memref<512x50xf32, #tpu.memory_space<vmem>> -> memref<1x50xf32, #tpu.memory_space<vmem>>
      %dma_start3A_283 = arith.constant 0 : i32
      %dma_start3A_284 = tpu.memref_slice %arg4[%squeeze3A_274, %dma_start3A_283] : memref<100000x50xf32, #tpu.memory_space<hbm>> -> memref<1x50xf32, #tpu.memory_space<hbm>>
      tpu.enqueue_dma source(%dma_start3A_284 : memref<1x50xf32, #tpu.memory_space<hbm>>) target(%dma_start3A_282 : memref<1x50xf32, #tpu.memory_space<vmem>>) target_semaphore(%arg16 : memref<!tpu.dma_semaphore, #tpu.memory_space<semaphore_mem>>)
      %add3A_285 = arith.constant 7 : i32
      %add3A_286 = arith.addi %add3A_175, %add3A_285 : i32
      %get3A_287 = arith.index_cast %add3A_286 : i32 to index
      %get3A_288 = tpu.vector_load %arg8[%get3A_287] {strides = array<i32>} : memref<512xi32, #tpu.memory_space<vmem>>, vector<1xi32>,
      %get3A_289 = vector.shape_cast %get3A_288 : vector<1xi32> to vector<1xi32>
      %squeeze3A_290 = vector.extract %get3A_289[0] : i32 from vector<1xi32>
      %add3A_291 = arith.constant 7 : i32
      %add3A_292 = arith.addi %add3A_175, %add3A_291 : i32
      %dma_start3A_293 = arith.constant 0 : i32
      %dma_start3A_294 = tpu.memref_slice %arg9[%add3A_292, %dma_start3A_293] : memref<512x50xf32, #tpu.memory_space<vmem>> -> memref<1x50xf32, #tpu.memory_space<vmem>>
      %dma_start3A_295 = arith.constant 0 : i32
      %dma_start3A_296 = tpu.memref_slice %arg4[%squeeze3A_290, %dma_start3A_295] : memref<100000x50xf32, #tpu.memory_space<hbm>> -> memref<1x50xf32, #tpu.memory_space<hbm>>
      %dma_start3A_297 = arith.constant 0 : i32
      %dma_start3A_298 = tpu.memref_slice %arg9[%add3A_292, %dma_start3A_297] : memref<512x50xf32, #tpu.memory_space<vmem>> -> memref<1x50xf32, #tpu.memory_space<vmem>>
      %dma_start3A_299 = arith.constant 0 : i32
      %dma_start3A_300 = tpu.memref_slice %arg4[%squeeze3A_290, %dma_start3A_299] : memref<100000x50xf32, #tpu.memory_space<hbm>> -> memref<1x50xf32, #tpu.memory_space<hbm>>
      tpu.enqueue_dma source(%dma_start3A_300 : memref<1x50xf32, #tpu.memory_space<hbm>>) target(%dma_start3A_298 : memref<1x50xf32, #tpu.memory_space<vmem>>) target_semaphore(%arg17 : memref<!tpu.dma_semaphore, #tpu.memory_space<semaphore_mem>>)
    }
    %scan3A_6 = arith.constant 64 : i32
    %dma_wait3A = arith.constant 0 : i32
    %dma_wait3A_7 = arith.constant 0 : i32
    %dma_wait3A_8 = tpu.memref_slice %arg9[%dma_wait3A, %dma_wait3A_7] : memref<512x50xf32, #tpu.memory_space<vmem>> -> memref<64x50xf32, #tpu.memory_space<vmem>>
    %dma_wait3A_9 = arith.constant 0 : i32
    %dma_wait3A_10 = tpu.memref_slice %arg6[%mul3A_2, %dma_wait3A_9] : memref<16384x50xf32, #tpu.memory_space<hbm>> -> memref<64x50xf32, #tpu.memory_space<hbm>>
    %dma_wait3A_11 = arith.constant 0 : i32
    %dma_wait3A_12 = arith.constant 0 : i32
    %dma_wait3A_13 = tpu.memref_slice %arg9[%dma_wait3A_11, %dma_wait3A_12] : memref<512x50xf32, #tpu.memory_space<vmem>> -> memref<64x50xf32, #tpu.memory_space<vmem>>
    %dma_wait3A_14 = arith.constant 0 : i32
    %dma_wait3A_15 = tpu.memref_slice %arg6[%mul3A_2, %dma_wait3A_14] : memref<16384x50xf32, #tpu.memory_space<hbm>> -> memref<64x50xf32, #tpu.memory_space<hbm>>
    tpu.wait_dma2 semaphore(%arg10 : memref<!tpu.dma_semaphore, #tpu.memory_space<semaphore_mem>>) src(%dma_wait3A_15 : memref<64x50xf32, #tpu.memory_space<hbm>>) dst(%dma_wait3A_13 : memref<64x50xf32, #tpu.memory_space<vmem>>)
    %dma_wait3A_16 = arith.constant 0 : i32
    %dma_wait3A_17 = arith.constant 0 : i32
    %dma_wait3A_18 = tpu.memref_slice %arg9[%dma_wait3A_16, %dma_wait3A_17] : memref<512x50xf32, #tpu.memory_space<vmem>> -> memref<64x50xf32, #tpu.memory_space<vmem>>
    %dma_wait3A_19 = arith.constant 0 : i32
    %dma_wait3A_20 = tpu.memref_slice %arg6[%mul3A_2, %dma_wait3A_19] : memref<16384x50xf32, #tpu.memory_space<hbm>> -> memref<64x50xf32, #tpu.memory_space<hbm>>
    %dma_wait3A_21 = arith.constant 0 : i32
    %dma_wait3A_22 = arith.constant 0 : i32
    %dma_wait3A_23 = tpu.memref_slice %arg9[%dma_wait3A_21, %dma_wait3A_22] : memref<512x50xf32, #tpu.memory_space<vmem>> -> memref<64x50xf32, #tpu.memory_space<vmem>>
    %dma_wait3A_24 = arith.constant 0 : i32
    %dma_wait3A_25 = tpu.memref_slice %arg6[%mul3A_2, %dma_wait3A_24] : memref<16384x50xf32, #tpu.memory_space<hbm>> -> memref<64x50xf32, #tpu.memory_space<hbm>>
    tpu.wait_dma2 semaphore(%arg11 : memref<!tpu.dma_semaphore, #tpu.memory_space<semaphore_mem>>) src(%dma_wait3A_25 : memref<64x50xf32, #tpu.memory_space<hbm>>) dst(%dma_wait3A_23 : memref<64x50xf32, #tpu.memory_space<vmem>>)
    %dma_wait3A_26 = arith.constant 0 : i32
    %dma_wait3A_27 = arith.constant 0 : i32
    %dma_wait3A_28 = tpu.memref_slice %arg9[%dma_wait3A_26, %dma_wait3A_27] : memref<512x50xf32, #tpu.memory_space<vmem>> -> memref<64x50xf32, #tpu.memory_space<vmem>>
    %dma_wait3A_29 = arith.constant 0 : i32
    %dma_wait3A_30 = tpu.memref_slice %arg6[%mul3A_2, %dma_wait3A_29] : memref<16384x50xf32, #tpu.memory_space<hbm>> -> memref<64x50xf32, #tpu.memory_space<hbm>>
    %dma_wait3A_31 = arith.constant 0 : i32
    %dma_wait3A_32 = arith.constant 0 : i32
    %dma_wait3A_33 = tpu.memref_slice %arg9[%dma_wait3A_31, %dma_wait3A_32] : memref<512x50xf32, #tpu.memory_space<vmem>> -> memref<64x50xf32, #tpu.memory_space<vmem>>
    %dma_wait3A_34 = arith.constant 0 : i32
    %dma_wait3A_35 = tpu.memref_slice %arg6[%mul3A_2, %dma_wait3A_34] : memref<16384x50xf32, #tpu.memory_space<hbm>> -> memref<64x50xf32, #tpu.memory_space<hbm>>
    tpu.wait_dma2 semaphore(%arg12 : memref<!tpu.dma_semaphore, #tpu.memory_space<semaphore_mem>>) src(%dma_wait3A_35 : memref<64x50xf32, #tpu.memory_space<hbm>>) dst(%dma_wait3A_33 : memref<64x50xf32, #tpu.memory_space<vmem>>)
    %dma_wait3A_36 = arith.constant 0 : i32
    %dma_wait3A_37 = arith.constant 0 : i32
    %dma_wait3A_38 = tpu.memref_slice %arg9[%dma_wait3A_36, %dma_wait3A_37] : memref<512x50xf32, #tpu.memory_space<vmem>> -> memref<64x50xf32, #tpu.memory_space<vmem>>
    %dma_wait3A_39 = arith.constant 0 : i32
    %dma_wait3A_40 = tpu.memref_slice %arg6[%mul3A_2, %dma_wait3A_39] : memref<16384x50xf32, #tpu.memory_space<hbm>> -> memref<64x50xf32, #tpu.memory_space<hbm>>
    %dma_wait3A_41 = arith.constant 0 : i32
    %dma_wait3A_42 = arith.constant 0 : i32
    %dma_wait3A_43 = tpu.memref_slice %arg9[%dma_wait3A_41, %dma_wait3A_42] : memref<512x50xf32, #tpu.memory_space<vmem>> -> memref<64x50xf32, #tpu.memory_space<vmem>>
    %dma_wait3A_44 = arith.constant 0 : i32
    %dma_wait3A_45 = tpu.memref_slice %arg6[%mul3A_2, %dma_wait3A_44] : memref<16384x50xf32, #tpu.memory_space<hbm>> -> memref<64x50xf32, #tpu.memory_space<hbm>>
    tpu.wait_dma2 semaphore(%arg13 : memref<!tpu.dma_semaphore, #tpu.memory_space<semaphore_mem>>) src(%dma_wait3A_45 : memref<64x50xf32, #tpu.memory_space<hbm>>) dst(%dma_wait3A_43 : memref<64x50xf32, #tpu.memory_space<vmem>>)
    %dma_wait3A_46 = arith.constant 0 : i32
    %dma_wait3A_47 = arith.constant 0 : i32
    %dma_wait3A_48 = tpu.memref_slice %arg9[%dma_wait3A_46, %dma_wait3A_47] : memref<512x50xf32, #tpu.memory_space<vmem>> -> memref<64x50xf32, #tpu.memory_space<vmem>>
    %dma_wait3A_49 = arith.constant 0 : i32
    %dma_wait3A_50 = tpu.memref_slice %arg6[%mul3A_2, %dma_wait3A_49] : memref<16384x50xf32, #tpu.memory_space<hbm>> -> memref<64x50xf32, #tpu.memory_space<hbm>>
    %dma_wait3A_51 = arith.constant 0 : i32
    %dma_wait3A_52 = arith.constant 0 : i32
    %dma_wait3A_53 = tpu.memref_slice %arg9[%dma_wait3A_51, %dma_wait3A_52] : memref<512x50xf32, #tpu.memory_space<vmem>> -> memref<64x50xf32, #tpu.memory_space<vmem>>
    %dma_wait3A_54 = arith.constant 0 : i32
    %dma_wait3A_55 = tpu.memref_slice %arg6[%mul3A_2, %dma_wait3A_54] : memref<16384x50xf32, #tpu.memory_space<hbm>> -> memref<64x50xf32, #tpu.memory_space<hbm>>
    tpu.wait_dma2 semaphore(%arg14 : memref<!tpu.dma_semaphore, #tpu.memory_space<semaphore_mem>>) src(%dma_wait3A_55 : memref<64x50xf32, #tpu.memory_space<hbm>>) dst(%dma_wait3A_53 : memref<64x50xf32, #tpu.memory_space<vmem>>)
    %dma_wait3A_56 = arith.constant 0 : i32
    %dma_wait3A_57 = arith.constant 0 : i32
    %dma_wait3A_58 = tpu.memref_slice %arg9[%dma_wait3A_56, %dma_wait3A_57] : memref<512x50xf32, #tpu.memory_space<vmem>> -> memref<64x50xf32, #tpu.memory_space<vmem>>
    %dma_wait3A_59 = arith.constant 0 : i32
    %dma_wait3A_60 = tpu.memref_slice %arg6[%mul3A_2, %dma_wait3A_59] : memref<16384x50xf32, #tpu.memory_space<hbm>> -> memref<64x50xf32, #tpu.memory_space<hbm>>
    %dma_wait3A_61 = arith.constant 0 : i32
    %dma_wait3A_62 = arith.constant 0 : i32
    %dma_wait3A_63 = tpu.memref_slice %arg9[%dma_wait3A_61, %dma_wait3A_62] : memref<512x50xf32, #tpu.memory_space<vmem>> -> memref<64x50xf32, #tpu.memory_space<vmem>>
    %dma_wait3A_64 = arith.constant 0 : i32
    %dma_wait3A_65 = tpu.memref_slice %arg6[%mul3A_2, %dma_wait3A_64] : memref<16384x50xf32, #tpu.memory_space<hbm>> -> memref<64x50xf32, #tpu.memory_space<hbm>>
    tpu.wait_dma2 semaphore(%arg15 : memref<!tpu.dma_semaphore, #tpu.memory_space<semaphore_mem>>) src(%dma_wait3A_65 : memref<64x50xf32, #tpu.memory_space<hbm>>) dst(%dma_wait3A_63 : memref<64x50xf32, #tpu.memory_space<vmem>>)
    %dma_wait3A_66 = arith.constant 0 : i32
    %dma_wait3A_67 = arith.constant 0 : i32
    %dma_wait3A_68 = tpu.memref_slice %arg9[%dma_wait3A_66, %dma_wait3A_67] : memref<512x50xf32, #tpu.memory_space<vmem>> -> memref<64x50xf32, #tpu.memory_space<vmem>>
    %dma_wait3A_69 = arith.constant 0 : i32
    %dma_wait3A_70 = tpu.memref_slice %arg6[%mul3A_2, %dma_wait3A_69] : memref<16384x50xf32, #tpu.memory_space<hbm>> -> memref<64x50xf32, #tpu.memory_space<hbm>>
    %dma_wait3A_71 = arith.constant 0 : i32
    %dma_wait3A_72 = arith.constant 0 : i32
    %dma_wait3A_73 = tpu.memref_slice %arg9[%dma_wait3A_71, %dma_wait3A_72] : memref<512x50xf32, #tpu.memory_space<vmem>> -> memref<64x50xf32, #tpu.memory_space<vmem>>
    %dma_wait3A_74 = arith.constant 0 : i32
    %dma_wait3A_75 = tpu.memref_slice %arg6[%mul3A_2, %dma_wait3A_74] : memref<16384x50xf32, #tpu.memory_space<hbm>> -> memref<64x50xf32, #tpu.memory_space<hbm>>
    tpu.wait_dma2 semaphore(%arg16 : memref<!tpu.dma_semaphore, #tpu.memory_space<semaphore_mem>>) src(%dma_wait3A_75 : memref<64x50xf32, #tpu.memory_space<hbm>>) dst(%dma_wait3A_73 : memref<64x50xf32, #tpu.memory_space<vmem>>)
    %dma_wait3A_76 = arith.constant 0 : i32
    %dma_wait3A_77 = arith.constant 0 : i32
    %dma_wait3A_78 = tpu.memref_slice %arg9[%dma_wait3A_76, %dma_wait3A_77] : memref<512x50xf32, #tpu.memory_space<vmem>> -> memref<64x50xf32, #tpu.memory_space<vmem>>
    %dma_wait3A_79 = arith.constant 0 : i32
    %dma_wait3A_80 = tpu.memref_slice %arg6[%mul3A_2, %dma_wait3A_79] : memref<16384x50xf32, #tpu.memory_space<hbm>> -> memref<64x50xf32, #tpu.memory_space<hbm>>
    %dma_wait3A_81 = arith.constant 0 : i32
    %dma_wait3A_82 = arith.constant 0 : i32
    %dma_wait3A_83 = tpu.memref_slice %arg9[%dma_wait3A_81, %dma_wait3A_82] : memref<512x50xf32, #tpu.memory_space<vmem>> -> memref<64x50xf32, #tpu.memory_space<vmem>>
    %dma_wait3A_84 = arith.constant 0 : i32
    %dma_wait3A_85 = tpu.memref_slice %arg6[%mul3A_2, %dma_wait3A_84] : memref<16384x50xf32, #tpu.memory_space<hbm>> -> memref<64x50xf32, #tpu.memory_space<hbm>>
    tpu.wait_dma2 semaphore(%arg17 : memref<!tpu.dma_semaphore, #tpu.memory_space<semaphore_mem>>) src(%dma_wait3A_85 : memref<64x50xf32, #tpu.memory_space<hbm>>) dst(%dma_wait3A_83 : memref<64x50xf32, #tpu.memory_space<vmem>>)
    "tpu.region"() ({
      %run_scoped3A = tpu.sem_alloc : memref<!tpu.dma_semaphore, #tpu.memory_space<semaphore_mem>>
      %dma_start3A = arith.constant 0 : i32
      %dma_start3A_171 = tpu.memref_slice %arg6[%mul3A_2, %dma_start3A] : memref<16384x50xf32, #tpu.memory_space<hbm>> -> memref<512x50xf32, #tpu.memory_space<hbm>>
      %dma_start3A_172 = arith.constant 0 : i32
      %dma_start3A_173 = tpu.memref_slice %arg6[%mul3A_2, %dma_start3A_172] : memref<16384x50xf32, #tpu.memory_space<hbm>> -> memref<512x50xf32, #tpu.memory_space<hbm>>
      tpu.enqueue_dma source(%arg9 : memref<512x50xf32, #tpu.memory_space<vmem>>) target(%dma_start3A_173 : memref<512x50xf32, #tpu.memory_space<hbm>>) target_semaphore(%run_scoped3A : memref<!tpu.dma_semaphore, #tpu.memory_space<semaphore_mem>>)
      %dma_wait3A_174 = arith.constant 0 : i32
      %dma_wait3A_175 = tpu.memref_slice %arg6[%mul3A_2, %dma_wait3A_174] : memref<16384x50xf32, #tpu.memory_space<hbm>> -> memref<512x50xf32, #tpu.memory_space<hbm>>
      %dma_wait3A_176 = arith.constant 0 : i32
      %dma_wait3A_177 = tpu.memref_slice %arg6[%mul3A_2, %dma_wait3A_176] : memref<16384x50xf32, #tpu.memory_space<hbm>> -> memref<512x50xf32, #tpu.memory_space<hbm>>
      tpu.wait_dma2 semaphore(%run_scoped3A : memref<!tpu.dma_semaphore, #tpu.memory_space<semaphore_mem>>) src(%arg9 : memref<512x50xf32, #tpu.memory_space<vmem>>) dst(%dma_wait3A_177 : memref<512x50xf32, #tpu.memory_space<hbm>>)
      tpu.yield
    }) : () -> ()
    "tpu.region"() ({
      %run_scoped3A = tpu.sem_alloc : memref<!tpu.dma_semaphore, #tpu.memory_space<semaphore_mem>>
      %dma_start3A = tpu.memref_slice %arg3[%mul3A_2] : memref<16384xi32, #tpu.memory_space<hbm>> -> memref<512xi32, #tpu.memory_space<hbm>>
      %dma_start3A_171 = tpu.memref_slice %arg3[%mul3A_2] : memref<16384xi32, #tpu.memory_space<hbm>> -> memref<512xi32, #tpu.memory_space<hbm>>
      tpu.enqueue_dma source(%dma_start3A_171 : memref<512xi32, #tpu.memory_space<hbm>>) target(%arg8 : memref<512xi32, #tpu.memory_space<vmem>>) target_semaphore(%run_scoped3A : memref<!tpu.dma_semaphore, #tpu.memory_space<semaphore_mem>>)
      %dma_wait3A_172 = tpu.memref_slice %arg3[%mul3A_2] : memref<16384xi32, #tpu.memory_space<hbm>> -> memref<512xi32, #tpu.memory_space<hbm>>
      %dma_wait3A_173 = tpu.memref_slice %arg3[%mul3A_2] : memref<16384xi32, #tpu.memory_space<hbm>> -> memref<512xi32, #tpu.memory_space<hbm>>
      tpu.wait_dma2 semaphore(%run_scoped3A : memref<!tpu.dma_semaphore, #tpu.memory_space<semaphore_mem>>) src(%dma_wait3A_173 : memref<512xi32, #tpu.memory_space<hbm>>) dst(%arg8 : memref<512xi32, #tpu.memory_space<vmem>>)
      tpu.yield
    }) : () -> ()
    %scan3A_86 = arith.constant 0 : i32
    %scan3A_87 = arith.constant 64 : i32
    %scan3A_88 = arith.addi %scan3A_86, %scan3A_87 : i32
    %scan3A_89 = arith.constant 1 : i32
    scf.for %scan3A_171 = %scan3A_86 to %scan3A_88 step %scan3A_89  : i32 {
      %mul3A_172 = arith.constant 8 : i32
      %mul3A_173 = arith.muli %scan3A_171, %mul3A_172 : i32
      %add3A_174 = arith.constant 0 : i32
      %add3A_175 = arith.addi %add3A_174, %mul3A_173 : i32
      %add3A_176 = arith.constant 0 : i32
      %add3A_177 = arith.addi %add3A_175, %add3A_176 : i32
      %get3A = arith.index_cast %add3A_177 : i32 to index
      %get3A_178 = tpu.vector_load %arg8[%get3A] {strides = array<i32>} : memref<512xi32, #tpu.memory_space<vmem>>, vector<1xi32>,
      %get3A_179 = vector.shape_cast %get3A_178 : vector<1xi32> to vector<1xi32>
      %squeeze3A = vector.extract %get3A_179[0] : i32 from vector<1xi32>
      %add3A_180 = arith.constant 0 : i32
      %add3A_181 = arith.addi %add3A_175, %add3A_180 : i32
      %dma_start3A = arith.constant 0 : i32
      %dma_start3A_182 = tpu.memref_slice %arg9[%add3A_181, %dma_start3A] : memref<512x50xf32, #tpu.memory_space<vmem>> -> memref<1x50xf32, #tpu.memory_space<vmem>>
      %dma_start3A_183 = arith.constant 0 : i32
      %dma_start3A_184 = tpu.memref_slice %arg5[%squeeze3A, %dma_start3A_183] : memref<100000x50xf32, #tpu.memory_space<hbm>> -> memref<1x50xf32, #tpu.memory_space<hbm>>
      %dma_start3A_185 = arith.constant 0 : i32
      %dma_start3A_186 = tpu.memref_slice %arg9[%add3A_181, %dma_start3A_185] : memref<512x50xf32, #tpu.memory_space<vmem>> -> memref<1x50xf32, #tpu.memory_space<vmem>>
      %dma_start3A_187 = arith.constant 0 : i32
      %dma_start3A_188 = tpu.memref_slice %arg5[%squeeze3A, %dma_start3A_187] : memref<100000x50xf32, #tpu.memory_space<hbm>> -> memref<1x50xf32, #tpu.memory_space<hbm>>
      tpu.enqueue_dma source(%dma_start3A_188 : memref<1x50xf32, #tpu.memory_space<hbm>>) target(%dma_start3A_186 : memref<1x50xf32, #tpu.memory_space<vmem>>) target_semaphore(%arg10 : memref<!tpu.dma_semaphore, #tpu.memory_space<semaphore_mem>>)
      %add3A_189 = arith.constant 1 : i32
      %add3A_190 = arith.addi %add3A_175, %add3A_189 : i32
      %get3A_191 = arith.index_cast %add3A_190 : i32 to index
      %get3A_192 = tpu.vector_load %arg8[%get3A_191] {strides = array<i32>} : memref<512xi32, #tpu.memory_space<vmem>>, vector<1xi32>,
      %get3A_193 = vector.shape_cast %get3A_192 : vector<1xi32> to vector<1xi32>
      %squeeze3A_194 = vector.extract %get3A_193[0] : i32 from vector<1xi32>
      %add3A_195 = arith.constant 1 : i32
      %add3A_196 = arith.addi %add3A_175, %add3A_195 : i32
      %dma_start3A_197 = arith.constant 0 : i32
      %dma_start3A_198 = tpu.memref_slice %arg9[%add3A_196, %dma_start3A_197] : memref<512x50xf32, #tpu.memory_space<vmem>> -> memref<1x50xf32, #tpu.memory_space<vmem>>
      %dma_start3A_199 = arith.constant 0 : i32
      %dma_start3A_200 = tpu.memref_slice %arg5[%squeeze3A_194, %dma_start3A_199] : memref<100000x50xf32, #tpu.memory_space<hbm>> -> memref<1x50xf32, #tpu.memory_space<hbm>>
      %dma_start3A_201 = arith.constant 0 : i32
      %dma_start3A_202 = tpu.memref_slice %arg9[%add3A_196, %dma_start3A_201] : memref<512x50xf32, #tpu.memory_space<vmem>> -> memref<1x50xf32, #tpu.memory_space<vmem>>
      %dma_start3A_203 = arith.constant 0 : i32
      %dma_start3A_204 = tpu.memref_slice %arg5[%squeeze3A_194, %dma_start3A_203] : memref<100000x50xf32, #tpu.memory_space<hbm>> -> memref<1x50xf32, #tpu.memory_space<hbm>>
      tpu.enqueue_dma source(%dma_start3A_204 : memref<1x50xf32, #tpu.memory_space<hbm>>) target(%dma_start3A_202 : memref<1x50xf32, #tpu.memory_space<vmem>>) target_semaphore(%arg11 : memref<!tpu.dma_semaphore, #tpu.memory_space<semaphore_mem>>)
      %add3A_205 = arith.constant 2 : i32
      %add3A_206 = arith.addi %add3A_175, %add3A_205 : i32
      %get3A_207 = arith.index_cast %add3A_206 : i32 to index
      %get3A_208 = tpu.vector_load %arg8[%get3A_207] {strides = array<i32>} : memref<512xi32, #tpu.memory_space<vmem>>, vector<1xi32>,
      %get3A_209 = vector.shape_cast %get3A_208 : vector<1xi32> to vector<1xi32>
      %squeeze3A_210 = vector.extract %get3A_209[0] : i32 from vector<1xi32>
      %add3A_211 = arith.constant 2 : i32
      %add3A_212 = arith.addi %add3A_175, %add3A_211 : i32
      %dma_start3A_213 = arith.constant 0 : i32
      %dma_start3A_214 = tpu.memref_slice %arg9[%add3A_212, %dma_start3A_213] : memref<512x50xf32, #tpu.memory_space<vmem>> -> memref<1x50xf32, #tpu.memory_space<vmem>>
      %dma_start3A_215 = arith.constant 0 : i32
      %dma_start3A_216 = tpu.memref_slice %arg5[%squeeze3A_210, %dma_start3A_215] : memref<100000x50xf32, #tpu.memory_space<hbm>> -> memref<1x50xf32, #tpu.memory_space<hbm>>
      %dma_start3A_217 = arith.constant 0 : i32
      %dma_start3A_218 = tpu.memref_slice %arg9[%add3A_212, %dma_start3A_217] : memref<512x50xf32, #tpu.memory_space<vmem>> -> memref<1x50xf32, #tpu.memory_space<vmem>>
      %dma_start3A_219 = arith.constant 0 : i32
      %dma_start3A_220 = tpu.memref_slice %arg5[%squeeze3A_210, %dma_start3A_219] : memref<100000x50xf32, #tpu.memory_space<hbm>> -> memref<1x50xf32, #tpu.memory_space<hbm>>
      tpu.enqueue_dma source(%dma_start3A_220 : memref<1x50xf32, #tpu.memory_space<hbm>>) target(%dma_start3A_218 : memref<1x50xf32, #tpu.memory_space<vmem>>) target_semaphore(%arg12 : memref<!tpu.dma_semaphore, #tpu.memory_space<semaphore_mem>>)
      %add3A_221 = arith.constant 3 : i32
      %add3A_222 = arith.addi %add3A_175, %add3A_221 : i32
      %get3A_223 = arith.index_cast %add3A_222 : i32 to index
      %get3A_224 = tpu.vector_load %arg8[%get3A_223] {strides = array<i32>} : memref<512xi32, #tpu.memory_space<vmem>>, vector<1xi32>,
      %get3A_225 = vector.shape_cast %get3A_224 : vector<1xi32> to vector<1xi32>
      %squeeze3A_226 = vector.extract %get3A_225[0] : i32 from vector<1xi32>
      %add3A_227 = arith.constant 3 : i32
      %add3A_228 = arith.addi %add3A_175, %add3A_227 : i32
      %dma_start3A_229 = arith.constant 0 : i32
      %dma_start3A_230 = tpu.memref_slice %arg9[%add3A_228, %dma_start3A_229] : memref<512x50xf32, #tpu.memory_space<vmem>> -> memref<1x50xf32, #tpu.memory_space<vmem>>
      %dma_start3A_231 = arith.constant 0 : i32
      %dma_start3A_232 = tpu.memref_slice %arg5[%squeeze3A_226, %dma_start3A_231] : memref<100000x50xf32, #tpu.memory_space<hbm>> -> memref<1x50xf32, #tpu.memory_space<hbm>>
      %dma_start3A_233 = arith.constant 0 : i32
      %dma_start3A_234 = tpu.memref_slice %arg9[%add3A_228, %dma_start3A_233] : memref<512x50xf32, #tpu.memory_space<vmem>> -> memref<1x50xf32, #tpu.memory_space<vmem>>
      %dma_start3A_235 = arith.constant 0 : i32
      %dma_start3A_236 = tpu.memref_slice %arg5[%squeeze3A_226, %dma_start3A_235] : memref<100000x50xf32, #tpu.memory_space<hbm>> -> memref<1x50xf32, #tpu.memory_space<hbm>>
      tpu.enqueue_dma source(%dma_start3A_236 : memref<1x50xf32, #tpu.memory_space<hbm>>) target(%dma_start3A_234 : memref<1x50xf32, #tpu.memory_space<vmem>>) target_semaphore(%arg13 : memref<!tpu.dma_semaphore, #tpu.memory_space<semaphore_mem>>)
      %add3A_237 = arith.constant 4 : i32
      %add3A_238 = arith.addi %add3A_175, %add3A_237 : i32
      %get3A_239 = arith.index_cast %add3A_238 : i32 to index
      %get3A_240 = tpu.vector_load %arg8[%get3A_239] {strides = array<i32>} : memref<512xi32, #tpu.memory_space<vmem>>, vector<1xi32>,
      %get3A_241 = vector.shape_cast %get3A_240 : vector<1xi32> to vector<1xi32>
      %squeeze3A_242 = vector.extract %get3A_241[0] : i32 from vector<1xi32>
      %add3A_243 = arith.constant 4 : i32
      %add3A_244 = arith.addi %add3A_175, %add3A_243 : i32
      %dma_start3A_245 = arith.constant 0 : i32
      %dma_start3A_246 = tpu.memref_slice %arg9[%add3A_244, %dma_start3A_245] : memref<512x50xf32, #tpu.memory_space<vmem>> -> memref<1x50xf32, #tpu.memory_space<vmem>>
      %dma_start3A_247 = arith.constant 0 : i32
      %dma_start3A_248 = tpu.memref_slice %arg5[%squeeze3A_242, %dma_start3A_247] : memref<100000x50xf32, #tpu.memory_space<hbm>> -> memref<1x50xf32, #tpu.memory_space<hbm>>
      %dma_start3A_249 = arith.constant 0 : i32
      %dma_start3A_250 = tpu.memref_slice %arg9[%add3A_244, %dma_start3A_249] : memref<512x50xf32, #tpu.memory_space<vmem>> -> memref<1x50xf32, #tpu.memory_space<vmem>>
      %dma_start3A_251 = arith.constant 0 : i32
      %dma_start3A_252 = tpu.memref_slice %arg5[%squeeze3A_242, %dma_start3A_251] : memref<100000x50xf32, #tpu.memory_space<hbm>> -> memref<1x50xf32, #tpu.memory_space<hbm>>
      tpu.enqueue_dma source(%dma_start3A_252 : memref<1x50xf32, #tpu.memory_space<hbm>>) target(%dma_start3A_250 : memref<1x50xf32, #tpu.memory_space<vmem>>) target_semaphore(%arg14 : memref<!tpu.dma_semaphore, #tpu.memory_space<semaphore_mem>>)
      %add3A_253 = arith.constant 5 : i32
      %add3A_254 = arith.addi %add3A_175, %add3A_253 : i32
      %get3A_255 = arith.index_cast %add3A_254 : i32 to index
      %get3A_256 = tpu.vector_load %arg8[%get3A_255] {strides = array<i32>} : memref<512xi32, #tpu.memory_space<vmem>>, vector<1xi32>,
      %get3A_257 = vector.shape_cast %get3A_256 : vector<1xi32> to vector<1xi32>
      %squeeze3A_258 = vector.extract %get3A_257[0] : i32 from vector<1xi32>
      %add3A_259 = arith.constant 5 : i32
      %add3A_260 = arith.addi %add3A_175, %add3A_259 : i32
      %dma_start3A_261 = arith.constant 0 : i32
      %dma_start3A_262 = tpu.memref_slice %arg9[%add3A_260, %dma_start3A_261] : memref<512x50xf32, #tpu.memory_space<vmem>> -> memref<1x50xf32, #tpu.memory_space<vmem>>
      %dma_start3A_263 = arith.constant 0 : i32
      %dma_start3A_264 = tpu.memref_slice %arg5[%squeeze3A_258, %dma_start3A_263] : memref<100000x50xf32, #tpu.memory_space<hbm>> -> memref<1x50xf32, #tpu.memory_space<hbm>>
      %dma_start3A_265 = arith.constant 0 : i32
      %dma_start3A_266 = tpu.memref_slice %arg9[%add3A_260, %dma_start3A_265] : memref<512x50xf32, #tpu.memory_space<vmem>> -> memref<1x50xf32, #tpu.memory_space<vmem>>
      %dma_start3A_267 = arith.constant 0 : i32
      %dma_start3A_268 = tpu.memref_slice %arg5[%squeeze3A_258, %dma_start3A_267] : memref<100000x50xf32, #tpu.memory_space<hbm>> -> memref<1x50xf32, #tpu.memory_space<hbm>>
      tpu.enqueue_dma source(%dma_start3A_268 : memref<1x50xf32, #tpu.memory_space<hbm>>) target(%dma_start3A_266 : memref<1x50xf32, #tpu.memory_space<vmem>>) target_semaphore(%arg15 : memref<!tpu.dma_semaphore, #tpu.memory_space<semaphore_mem>>)
      %add3A_269 = arith.constant 6 : i32
      %add3A_270 = arith.addi %add3A_175, %add3A_269 : i32
      %get3A_271 = arith.index_cast %add3A_270 : i32 to index
      %get3A_272 = tpu.vector_load %arg8[%get3A_271] {strides = array<i32>} : memref<512xi32, #tpu.memory_space<vmem>>, vector<1xi32>,
      %get3A_273 = vector.shape_cast %get3A_272 : vector<1xi32> to vector<1xi32>
      %squeeze3A_274 = vector.extract %get3A_273[0] : i32 from vector<1xi32>
      %add3A_275 = arith.constant 6 : i32
      %add3A_276 = arith.addi %add3A_175, %add3A_275 : i32
      %dma_start3A_277 = arith.constant 0 : i32
      %dma_start3A_278 = tpu.memref_slice %arg9[%add3A_276, %dma_start3A_277] : memref<512x50xf32, #tpu.memory_space<vmem>> -> memref<1x50xf32, #tpu.memory_space<vmem>>
      %dma_start3A_279 = arith.constant 0 : i32
      %dma_start3A_280 = tpu.memref_slice %arg5[%squeeze3A_274, %dma_start3A_279] : memref<100000x50xf32, #tpu.memory_space<hbm>> -> memref<1x50xf32, #tpu.memory_space<hbm>>
      %dma_start3A_281 = arith.constant 0 : i32
      %dma_start3A_282 = tpu.memref_slice %arg9[%add3A_276, %dma_start3A_281] : memref<512x50xf32, #tpu.memory_space<vmem>> -> memref<1x50xf32, #tpu.memory_space<vmem>>
      %dma_start3A_283 = arith.constant 0 : i32
      %dma_start3A_284 = tpu.memref_slice %arg5[%squeeze3A_274, %dma_start3A_283] : memref<100000x50xf32, #tpu.memory_space<hbm>> -> memref<1x50xf32, #tpu.memory_space<hbm>>
      tpu.enqueue_dma source(%dma_start3A_284 : memref<1x50xf32, #tpu.memory_space<hbm>>) target(%dma_start3A_282 : memref<1x50xf32, #tpu.memory_space<vmem>>) target_semaphore(%arg16 : memref<!tpu.dma_semaphore, #tpu.memory_space<semaphore_mem>>)
      %add3A_285 = arith.constant 7 : i32
      %add3A_286 = arith.addi %add3A_175, %add3A_285 : i32
      %get3A_287 = arith.index_cast %add3A_286 : i32 to index
      %get3A_288 = tpu.vector_load %arg8[%get3A_287] {strides = array<i32>} : memref<512xi32, #tpu.memory_space<vmem>>, vector<1xi32>,
      %get3A_289 = vector.shape_cast %get3A_288 : vector<1xi32> to vector<1xi32>
      %squeeze3A_290 = vector.extract %get3A_289[0] : i32 from vector<1xi32>
      %add3A_291 = arith.constant 7 : i32
      %add3A_292 = arith.addi %add3A_175, %add3A_291 : i32
      %dma_start3A_293 = arith.constant 0 : i32
      %dma_start3A_294 = tpu.memref_slice %arg9[%add3A_292, %dma_start3A_293] : memref<512x50xf32, #tpu.memory_space<vmem>> -> memref<1x50xf32, #tpu.memory_space<vmem>>
      %dma_start3A_295 = arith.constant 0 : i32
      %dma_start3A_296 = tpu.memref_slice %arg5[%squeeze3A_290, %dma_start3A_295] : memref<100000x50xf32, #tpu.memory_space<hbm>> -> memref<1x50xf32, #tpu.memory_space<hbm>>
      %dma_start3A_297 = arith.constant 0 : i32
      %dma_start3A_298 = tpu.memref_slice %arg9[%add3A_292, %dma_start3A_297] : memref<512x50xf32, #tpu.memory_space<vmem>> -> memref<1x50xf32, #tpu.memory_space<vmem>>
      %dma_start3A_299 = arith.constant 0 : i32
      %dma_start3A_300 = tpu.memref_slice %arg5[%squeeze3A_290, %dma_start3A_299] : memref<100000x50xf32, #tpu.memory_space<hbm>> -> memref<1x50xf32, #tpu.memory_space<hbm>>
      tpu.enqueue_dma source(%dma_start3A_300 : memref<1x50xf32, #tpu.memory_space<hbm>>) target(%dma_start3A_298 : memref<1x50xf32, #tpu.memory_space<vmem>>) target_semaphore(%arg17 : memref<!tpu.dma_semaphore, #tpu.memory_space<semaphore_mem>>)
    }
    %scan3A_90 = arith.constant 64 : i32
    %dma_wait3A_91 = arith.constant 0 : i32
    %dma_wait3A_92 = arith.constant 0 : i32
    %dma_wait3A_93 = tpu.memref_slice %arg9[%dma_wait3A_91, %dma_wait3A_92] : memref<512x50xf32, #tpu.memory_space<vmem>> -> memref<64x50xf32, #tpu.memory_space<vmem>>
    %dma_wait3A_94 = arith.constant 0 : i32
    %dma_wait3A_95 = tpu.memref_slice %arg7[%mul3A_2, %dma_wait3A_94] : memref<16384x50xf32, #tpu.memory_space<hbm>> -> memref<64x50xf32, #tpu.memory_space<hbm>>
    %dma_wait3A_96 = arith.constant 0 : i32
    %dma_wait3A_97 = arith.constant 0 : i32
    %dma_wait3A_98 = tpu.memref_slice %arg9[%dma_wait3A_96, %dma_wait3A_97] : memref<512x50xf32, #tpu.memory_space<vmem>> -> memref<64x50xf32, #tpu.memory_space<vmem>>
    %dma_wait3A_99 = arith.constant 0 : i32
    %dma_wait3A_100 = tpu.memref_slice %arg7[%mul3A_2, %dma_wait3A_99] : memref<16384x50xf32, #tpu.memory_space<hbm>> -> memref<64x50xf32, #tpu.memory_space<hbm>>
    tpu.wait_dma2 semaphore(%arg10 : memref<!tpu.dma_semaphore, #tpu.memory_space<semaphore_mem>>) src(%dma_wait3A_100 : memref<64x50xf32, #tpu.memory_space<hbm>>) dst(%dma_wait3A_98 : memref<64x50xf32, #tpu.memory_space<vmem>>)
    %dma_wait3A_101 = arith.constant 0 : i32
    %dma_wait3A_102 = arith.constant 0 : i32
    %dma_wait3A_103 = tpu.memref_slice %arg9[%dma_wait3A_101, %dma_wait3A_102] : memref<512x50xf32, #tpu.memory_space<vmem>> -> memref<64x50xf32, #tpu.memory_space<vmem>>
    %dma_wait3A_104 = arith.constant 0 : i32
    %dma_wait3A_105 = tpu.memref_slice %arg7[%mul3A_2, %dma_wait3A_104] : memref<16384x50xf32, #tpu.memory_space<hbm>> -> memref<64x50xf32, #tpu.memory_space<hbm>>
    %dma_wait3A_106 = arith.constant 0 : i32
    %dma_wait3A_107 = arith.constant 0 : i32
    %dma_wait3A_108 = tpu.memref_slice %arg9[%dma_wait3A_106, %dma_wait3A_107] : memref<512x50xf32, #tpu.memory_space<vmem>> -> memref<64x50xf32, #tpu.memory_space<vmem>>
    %dma_wait3A_109 = arith.constant 0 : i32
    %dma_wait3A_110 = tpu.memref_slice %arg7[%mul3A_2, %dma_wait3A_109] : memref<16384x50xf32, #tpu.memory_space<hbm>> -> memref<64x50xf32, #tpu.memory_space<hbm>>
    tpu.wait_dma2 semaphore(%arg11 : memref<!tpu.dma_semaphore, #tpu.memory_space<semaphore_mem>>) src(%dma_wait3A_110 : memref<64x50xf32, #tpu.memory_space<hbm>>) dst(%dma_wait3A_108 : memref<64x50xf32, #tpu.memory_space<vmem>>)
    %dma_wait3A_111 = arith.constant 0 : i32
    %dma_wait3A_112 = arith.constant 0 : i32
    %dma_wait3A_113 = tpu.memref_slice %arg9[%dma_wait3A_111, %dma_wait3A_112] : memref<512x50xf32, #tpu.memory_space<vmem>> -> memref<64x50xf32, #tpu.memory_space<vmem>>
    %dma_wait3A_114 = arith.constant 0 : i32
    %dma_wait3A_115 = tpu.memref_slice %arg7[%mul3A_2, %dma_wait3A_114] : memref<16384x50xf32, #tpu.memory_space<hbm>> -> memref<64x50xf32, #tpu.memory_space<hbm>>
    %dma_wait3A_116 = arith.constant 0 : i32
    %dma_wait3A_117 = arith.constant 0 : i32
    %dma_wait3A_118 = tpu.memref_slice %arg9[%dma_wait3A_116, %dma_wait3A_117] : memref<512x50xf32, #tpu.memory_space<vmem>> -> memref<64x50xf32, #tpu.memory_space<vmem>>
    %dma_wait3A_119 = arith.constant 0 : i32
    %dma_wait3A_120 = tpu.memref_slice %arg7[%mul3A_2, %dma_wait3A_119] : memref<16384x50xf32, #tpu.memory_space<hbm>> -> memref<64x50xf32, #tpu.memory_space<hbm>>
    tpu.wait_dma2 semaphore(%arg12 : memref<!tpu.dma_semaphore, #tpu.memory_space<semaphore_mem>>) src(%dma_wait3A_120 : memref<64x50xf32, #tpu.memory_space<hbm>>) dst(%dma_wait3A_118 : memref<64x50xf32, #tpu.memory_space<vmem>>)
    %dma_wait3A_121 = arith.constant 0 : i32
    %dma_wait3A_122 = arith.constant 0 : i32
    %dma_wait3A_123 = tpu.memref_slice %arg9[%dma_wait3A_121, %dma_wait3A_122] : memref<512x50xf32, #tpu.memory_space<vmem>> -> memref<64x50xf32, #tpu.memory_space<vmem>>
    %dma_wait3A_124 = arith.constant 0 : i32
    %dma_wait3A_125 = tpu.memref_slice %arg7[%mul3A_2, %dma_wait3A_124] : memref<16384x50xf32, #tpu.memory_space<hbm>> -> memref<64x50xf32, #tpu.memory_space<hbm>>
    %dma_wait3A_126 = arith.constant 0 : i32
    %dma_wait3A_127 = arith.constant 0 : i32
    %dma_wait3A_128 = tpu.memref_slice %arg9[%dma_wait3A_126, %dma_wait3A_127] : memref<512x50xf32, #tpu.memory_space<vmem>> -> memref<64x50xf32, #tpu.memory_space<vmem>>
    %dma_wait3A_129 = arith.constant 0 : i32
    %dma_wait3A_130 = tpu.memref_slice %arg7[%mul3A_2, %dma_wait3A_129] : memref<16384x50xf32, #tpu.memory_space<hbm>> -> memref<64x50xf32, #tpu.memory_space<hbm>>
    tpu.wait_dma2 semaphore(%arg13 : memref<!tpu.dma_semaphore, #tpu.memory_space<semaphore_mem>>) src(%dma_wait3A_130 : memref<64x50xf32, #tpu.memory_space<hbm>>) dst(%dma_wait3A_128 : memref<64x50xf32, #tpu.memory_space<vmem>>)
    %dma_wait3A_131 = arith.constant 0 : i32
    %dma_wait3A_132 = arith.constant 0 : i32
    %dma_wait3A_133 = tpu.memref_slice %arg9[%dma_wait3A_131, %dma_wait3A_132] : memref<512x50xf32, #tpu.memory_space<vmem>> -> memref<64x50xf32, #tpu.memory_space<vmem>>
    %dma_wait3A_134 = arith.constant 0 : i32
    %dma_wait3A_135 = tpu.memref_slice %arg7[%mul3A_2, %dma_wait3A_134] : memref<16384x50xf32, #tpu.memory_space<hbm>> -> memref<64x50xf32, #tpu.memory_space<hbm>>
    %dma_wait3A_136 = arith.constant 0 : i32
    %dma_wait3A_137 = arith.constant 0 : i32
    %dma_wait3A_138 = tpu.memref_slice %arg9[%dma_wait3A_136, %dma_wait3A_137] : memref<512x50xf32, #tpu.memory_space<vmem>> -> memref<64x50xf32, #tpu.memory_space<vmem>>
    %dma_wait3A_139 = arith.constant 0 : i32
    %dma_wait3A_140 = tpu.memref_slice %arg7[%mul3A_2, %dma_wait3A_139] : memref<16384x50xf32, #tpu.memory_space<hbm>> -> memref<64x50xf32, #tpu.memory_space<hbm>>
    tpu.wait_dma2 semaphore(%arg14 : memref<!tpu.dma_semaphore, #tpu.memory_space<semaphore_mem>>) src(%dma_wait3A_140 : memref<64x50xf32, #tpu.memory_space<hbm>>) dst(%dma_wait3A_138 : memref<64x50xf32, #tpu.memory_space<vmem>>)
    %dma_wait3A_141 = arith.constant 0 : i32
    %dma_wait3A_142 = arith.constant 0 : i32
    %dma_wait3A_143 = tpu.memref_slice %arg9[%dma_wait3A_141, %dma_wait3A_142] : memref<512x50xf32, #tpu.memory_space<vmem>> -> memref<64x50xf32, #tpu.memory_space<vmem>>
    %dma_wait3A_144 = arith.constant 0 : i32
    %dma_wait3A_145 = tpu.memref_slice %arg7[%mul3A_2, %dma_wait3A_144] : memref<16384x50xf32, #tpu.memory_space<hbm>> -> memref<64x50xf32, #tpu.memory_space<hbm>>
    %dma_wait3A_146 = arith.constant 0 : i32
    %dma_wait3A_147 = arith.constant 0 : i32
    %dma_wait3A_148 = tpu.memref_slice %arg9[%dma_wait3A_146, %dma_wait3A_147] : memref<512x50xf32, #tpu.memory_space<vmem>> -> memref<64x50xf32, #tpu.memory_space<vmem>>
    %dma_wait3A_149 = arith.constant 0 : i32
    %dma_wait3A_150 = tpu.memref_slice %arg7[%mul3A_2, %dma_wait3A_149] : memref<16384x50xf32, #tpu.memory_space<hbm>> -> memref<64x50xf32, #tpu.memory_space<hbm>>
    tpu.wait_dma2 semaphore(%arg15 : memref<!tpu.dma_semaphore, #tpu.memory_space<semaphore_mem>>) src(%dma_wait3A_150 : memref<64x50xf32, #tpu.memory_space<hbm>>) dst(%dma_wait3A_148 : memref<64x50xf32, #tpu.memory_space<vmem>>)
    %dma_wait3A_151 = arith.constant 0 : i32
    %dma_wait3A_152 = arith.constant 0 : i32
    %dma_wait3A_153 = tpu.memref_slice %arg9[%dma_wait3A_151, %dma_wait3A_152] : memref<512x50xf32, #tpu.memory_space<vmem>> -> memref<64x50xf32, #tpu.memory_space<vmem>>
    %dma_wait3A_154 = arith.constant 0 : i32
    %dma_wait3A_155 = tpu.memref_slice %arg7[%mul3A_2, %dma_wait3A_154] : memref<16384x50xf32, #tpu.memory_space<hbm>> -> memref<64x50xf32, #tpu.memory_space<hbm>>
    %dma_wait3A_156 = arith.constant 0 : i32
    %dma_wait3A_157 = arith.constant 0 : i32
    %dma_wait3A_158 = tpu.memref_slice %arg9[%dma_wait3A_156, %dma_wait3A_157] : memref<512x50xf32, #tpu.memory_space<vmem>> -> memref<64x50xf32, #tpu.memory_space<vmem>>
    %dma_wait3A_159 = arith.constant 0 : i32
    %dma_wait3A_160 = tpu.memref_slice %arg7[%mul3A_2, %dma_wait3A_159] : memref<16384x50xf32, #tpu.memory_space<hbm>> -> memref<64x50xf32, #tpu.memory_space<hbm>>
    tpu.wait_dma2 semaphore(%arg16 : memref<!tpu.dma_semaphore, #tpu.memory_space<semaphore_mem>>) src(%dma_wait3A_160 : memref<64x50xf32, #tpu.memory_space<hbm>>) dst(%dma_wait3A_158 : memref<64x50xf32, #tpu.memory_space<vmem>>)
    %dma_wait3A_161 = arith.constant 0 : i32
    %dma_wait3A_162 = arith.constant 0 : i32
    %dma_wait3A_163 = tpu.memref_slice %arg9[%dma_wait3A_161, %dma_wait3A_162] : memref<512x50xf32, #tpu.memory_space<vmem>> -> memref<64x50xf32, #tpu.memory_space<vmem>>
    %dma_wait3A_164 = arith.constant 0 : i32
    %dma_wait3A_165 = tpu.memref_slice %arg7[%mul3A_2, %dma_wait3A_164] : memref<16384x50xf32, #tpu.memory_space<hbm>> -> memref<64x50xf32, #tpu.memory_space<hbm>>
    %dma_wait3A_166 = arith.constant 0 : i32
    %dma_wait3A_167 = arith.constant 0 : i32
    %dma_wait3A_168 = tpu.memref_slice %arg9[%dma_wait3A_166, %dma_wait3A_167] : memref<512x50xf32, #tpu.memory_space<vmem>> -> memref<64x50xf32, #tpu.memory_space<vmem>>
    %dma_wait3A_169 = arith.constant 0 : i32
    %dma_wait3A_170 = tpu.memref_slice %arg7[%mul3A_2, %dma_wait3A_169] : memref<16384x50xf32, #tpu.memory_space<hbm>> -> memref<64x50xf32, #tpu.memory_space<hbm>>
    tpu.wait_dma2 semaphore(%arg17 : memref<!tpu.dma_semaphore, #tpu.memory_space<semaphore_mem>>) src(%dma_wait3A_170 : memref<64x50xf32, #tpu.memory_space<hbm>>) dst(%dma_wait3A_168 : memref<64x50xf32, #tpu.memory_space<vmem>>)
    "tpu.region"() ({
      %run_scoped3A = tpu.sem_alloc : memref<!tpu.dma_semaphore, #tpu.memory_space<semaphore_mem>>
      %dma_start3A = arith.constant 0 : i32
      %dma_start3A_171 = tpu.memref_slice %arg7[%mul3A_2, %dma_start3A] : memref<16384x50xf32, #tpu.memory_space<hbm>> -> memref<512x50xf32, #tpu.memory_space<hbm>>
      %dma_start3A_172 = arith.constant 0 : i32
      %dma_start3A_173 = tpu.memref_slice %arg7[%mul3A_2, %dma_start3A_172] : memref<16384x50xf32, #tpu.memory_space<hbm>> -> memref<512x50xf32, #tpu.memory_space<hbm>>
      tpu.enqueue_dma source(%arg9 : memref<512x50xf32, #tpu.memory_space<vmem>>) target(%dma_start3A_173 : memref<512x50xf32, #tpu.memory_space<hbm>>) target_semaphore(%run_scoped3A : memref<!tpu.dma_semaphore, #tpu.memory_space<semaphore_mem>>)
      %dma_wait3A_174 = arith.constant 0 : i32
      %dma_wait3A_175 = tpu.memref_slice %arg7[%mul3A_2, %dma_wait3A_174] : memref<16384x50xf32, #tpu.memory_space<hbm>> -> memref<512x50xf32, #tpu.memory_space<hbm>>
      %dma_wait3A_176 = arith.constant 0 : i32
      %dma_wait3A_177 = tpu.memref_slice %arg7[%mul3A_2, %dma_wait3A_176] : memref<16384x50xf32, #tpu.memory_space<hbm>> -> memref<512x50xf32, #tpu.memory_space<hbm>>
      tpu.wait_dma2 semaphore(%run_scoped3A : memref<!tpu.dma_semaphore, #tpu.memory_space<semaphore_mem>>) src(%arg9 : memref<512x50xf32, #tpu.memory_space<vmem>>) dst(%dma_wait3A_177 : memref<512x50xf32, #tpu.memory_space<hbm>>)
      tpu.yield
    }) : () -> ()
    return
  }
}

module attributes {stable_mosaic.version = 14 : i64} {
  func.func @_mlp_body(%arg0: i32, %arg1: memref<2048x50xf32, #tpu.memory_space<vmem>>, %arg2: memref<2048x50xf32, #tpu.memory_space<vmem>>, %arg3: memref<2048x50xf32, #tpu.memory_space<vmem>>, %arg4: memref<2048x13xf32, #tpu.memory_space<vmem>>, %arg5: memref<13xf32, #tpu.memory_space<vmem>>, %arg6: memref<13xf32, #tpu.memory_space<vmem>>, %arg7: memref<50x512xf32, #tpu.memory_space<vmem>>, %arg8: memref<50x512xf32, #tpu.memory_space<vmem>>, %arg9: memref<50x512xf32, #tpu.memory_space<vmem>>, %arg10: memref<13x512xf32, #tpu.memory_space<vmem>>, %arg11: memref<512xf32, #tpu.memory_space<vmem>>, %arg12: memref<512xf32, #tpu.memory_space<vmem>>, %arg13: memref<512xf32, #tpu.memory_space<vmem>>, %arg14: memref<512x256xf32, #tpu.memory_space<vmem>>, %arg15: memref<256xf32, #tpu.memory_space<vmem>>, %arg16: memref<256xf32, #tpu.memory_space<vmem>>, %arg17: memref<256xf32, #tpu.memory_space<vmem>>, %arg18: memref<256x1xf32, #tpu.memory_space<vmem>>, %arg19: memref<1xf32, #tpu.memory_space<vmem>>, %arg20: memref<2048x1xf32, #tpu.memory_space<vmem>>) attributes {dimension_semantics = [#tpu.dimension_semantics<arbitrary>], iteration_bounds = array<i64: 8>, scalar_prefetch = 0 : i64, scratch_operands = 0 : i64, tpu.core_type = #tpu.core_type<tc>, window_params = [{transform_indices = @transform_0, window_bounds = array<i64: 2048, 50>}, {transform_indices = @transform_1, window_bounds = array<i64: 2048, 50>}, {transform_indices = @transform_2, window_bounds = array<i64: 2048, 50>}, {transform_indices = @transform_3, window_bounds = array<i64: 2048, 13>}, {pipeline_mode = #tpu.pipeline_mode<synchronous>, transform_indices = @transform_4, window_bounds = array<i64: 13>}, {pipeline_mode = #tpu.pipeline_mode<synchronous>, transform_indices = @transform_5, window_bounds = array<i64: 13>}, {pipeline_mode = #tpu.pipeline_mode<synchronous>, transform_indices = @transform_6, window_bounds = array<i64: 50, 512>}, {pipeline_mode = #tpu.pipeline_mode<synchronous>, transform_indices = @transform_7, window_bounds = array<i64: 50, 512>}, {pipeline_mode = #tpu.pipeline_mode<synchronous>, transform_indices = @transform_8, window_bounds = array<i64: 50, 512>}, {pipeline_mode = #tpu.pipeline_mode<synchronous>, transform_indices = @transform_9, window_bounds = array<i64: 13, 512>}, {pipeline_mode = #tpu.pipeline_mode<synchronous>, transform_indices = @transform_10, window_bounds = array<i64: 512>}, {pipeline_mode = #tpu.pipeline_mode<synchronous>, transform_indices = @transform_11, window_bounds = array<i64: 512>}, {pipeline_mode = #tpu.pipeline_mode<synchronous>, transform_indices = @transform_12, window_bounds = array<i64: 512>}, {pipeline_mode = #tpu.pipeline_mode<synchronous>, transform_indices = @transform_13, window_bounds = array<i64: 512, 256>}, {pipeline_mode = #tpu.pipeline_mode<synchronous>, transform_indices = @transform_14, window_bounds = array<i64: 256>}, {pipeline_mode = #tpu.pipeline_mode<synchronous>, transform_indices = @transform_15, window_bounds = array<i64: 256>}, {pipeline_mode = #tpu.pipeline_mode<synchronous>, transform_indices = @transform_16, window_bounds = array<i64: 256>}, {pipeline_mode = #tpu.pipeline_mode<synchronous>, transform_indices = @transform_17, window_bounds = array<i64: 256, 1>}, {pipeline_mode = #tpu.pipeline_mode<synchronous>, transform_indices = @transform_18, window_bounds = array<i64: 1>}, {transform_indices = @transform_19, window_bounds = array<i64: 2048, 1>}]} {
    %get3A = arith.constant 0 : index
    %get3A_0 = arith.constant 0 : index
    %get3A_1 = vector.load %arg4[%get3A, %get3A_0] : memref<2048x13xf32, #tpu.memory_space<vmem>>, vector<2048x13xf32>
    %get3A_2 = arith.constant 0 : index
    %get3A_3 = vector.load %arg5[%get3A_2] : memref<13xf32, #tpu.memory_space<vmem>>, vector<13xf32>
    %mul3A = arith.constant 0.999994993 : f32
    %mul3A_4 = vector.broadcast %mul3A : f32 to vector<13xf32>
    %mul3A_5 = arith.mulf %get3A_3, %mul3A_4 : vector<13xf32>
    %broadcast_in_dim3A = vector.shape_cast %mul3A_5 : vector<13xf32> to vector<1x13xf32>
    %mul3A_6 = vector.broadcast %broadcast_in_dim3A : vector<1x13xf32> to vector<2048x13xf32>
    %mul3A_7 = arith.mulf %get3A_1, %mul3A_6 : vector<2048x13xf32>
    %get3A_8 = arith.constant 0 : index
    %get3A_9 = vector.load %arg6[%get3A_8] : memref<13xf32, #tpu.memory_space<vmem>>, vector<13xf32>
    %broadcast_in_dim3A_10 = vector.shape_cast %get3A_9 : vector<13xf32> to vector<1x13xf32>
    %add3A = vector.broadcast %broadcast_in_dim3A_10 : vector<1x13xf32> to vector<2048x13xf32>
    %add3A_11 = arith.addf %mul3A_7, %add3A : vector<2048x13xf32>
    %get3A_12 = arith.constant 0 : index
    %get3A_13 = arith.constant 0 : index
    %get3A_14 = vector.load %arg1[%get3A_12, %get3A_13] : memref<2048x50xf32, #tpu.memory_space<vmem>>, vector<2048x50xf32>
    %get3A_15 = arith.constant 0 : index
    %get3A_16 = arith.constant 0 : index
    %get3A_17 = vector.load %arg7[%get3A_15, %get3A_16] : memref<50x512xf32, #tpu.memory_space<vmem>>, vector<50x512xf32>
    %dot_general3A = arith.constant dense<0.000000e+00> : vector<2048x512xf32>
    %dot_general3A_18 = tpu.matmul %get3A_14, %get3A_17, %dot_general3A {dimension_numbers = #tpu.dot_dimension_numbers<[1], [0], [0], [1], [0, 0, 1, 1], [], []>, transpose_lhs_hint = false} : vector<2048x50xf32>, vector<50x512xf32>, vector<2048x512xf32> -> vector<2048x512xf32>
    %get3A_19 = arith.constant 0 : index
    %get3A_20 = arith.constant 0 : index
    %get3A_21 = vector.load %arg2[%get3A_19, %get3A_20] : memref<2048x50xf32, #tpu.memory_space<vmem>>, vector<2048x50xf32>
    %get3A_22 = arith.constant 0 : index
    %get3A_23 = arith.constant 0 : index
    %get3A_24 = vector.load %arg8[%get3A_22, %get3A_23] : memref<50x512xf32, #tpu.memory_space<vmem>>, vector<50x512xf32>
    %dot_general3A_25 = arith.constant dense<0.000000e+00> : vector<2048x512xf32>
    %dot_general3A_26 = tpu.matmul %get3A_21, %get3A_24, %dot_general3A_25 {dimension_numbers = #tpu.dot_dimension_numbers<[1], [0], [0], [1], [0, 0, 1, 1], [], []>, transpose_lhs_hint = false} : vector<2048x50xf32>, vector<50x512xf32>, vector<2048x512xf32> -> vector<2048x512xf32>
    %add3A_27 = arith.addf %dot_general3A_18, %dot_general3A_26 : vector<2048x512xf32>
    %get3A_28 = arith.constant 0 : index
    %get3A_29 = arith.constant 0 : index
    %get3A_30 = vector.load %arg3[%get3A_28, %get3A_29] : memref<2048x50xf32, #tpu.memory_space<vmem>>, vector<2048x50xf32>
    %get3A_31 = arith.constant 0 : index
    %get3A_32 = arith.constant 0 : index
    %get3A_33 = vector.load %arg9[%get3A_31, %get3A_32] : memref<50x512xf32, #tpu.memory_space<vmem>>, vector<50x512xf32>
    %dot_general3A_34 = arith.constant dense<0.000000e+00> : vector<2048x512xf32>
    %dot_general3A_35 = tpu.matmul %get3A_30, %get3A_33, %dot_general3A_34 {dimension_numbers = #tpu.dot_dimension_numbers<[1], [0], [0], [1], [0, 0, 1, 1], [], []>, transpose_lhs_hint = false} : vector<2048x50xf32>, vector<50x512xf32>, vector<2048x512xf32> -> vector<2048x512xf32>
    %add3A_36 = arith.addf %add3A_27, %dot_general3A_35 : vector<2048x512xf32>
    %get3A_37 = arith.constant 0 : index
    %get3A_38 = arith.constant 0 : index
    %get3A_39 = vector.load %arg10[%get3A_37, %get3A_38] : memref<13x512xf32, #tpu.memory_space<vmem>>, vector<13x512xf32>
    %dot_general3A_40 = arith.constant dense<0.000000e+00> : vector<2048x512xf32>
    %dot_general3A_41 = tpu.matmul %add3A_11, %get3A_39, %dot_general3A_40 {dimension_numbers = #tpu.dot_dimension_numbers<[1], [0], [0], [1], [0, 0, 1, 1], [], []>, transpose_lhs_hint = false} : vector<2048x13xf32>, vector<13x512xf32>, vector<2048x512xf32> -> vector<2048x512xf32>
    %add3A_42 = arith.addf %add3A_36, %dot_general3A_41 : vector<2048x512xf32>
    %get3A_43 = arith.constant 0 : index
    %get3A_44 = vector.load %arg11[%get3A_43] : memref<512xf32, #tpu.memory_space<vmem>>, vector<512xf32>
    %broadcast_in_dim3A_45 = vector.shape_cast %get3A_44 : vector<512xf32> to vector<1x512xf32>
    %add3A_46 = vector.broadcast %broadcast_in_dim3A_45 : vector<1x512xf32> to vector<2048x512xf32>
    %add3A_47 = arith.addf %add3A_42, %add3A_46 : vector<2048x512xf32>
    %max3A = arith.constant 0.000000e+00 : f32
    %max3A_48 = vector.broadcast %max3A : f32 to vector<2048x512xf32>
    %max3A_49 = arith.maximumf %add3A_47, %max3A_48 : vector<2048x512xf32>
    %get3A_50 = arith.constant 0 : index
    %get3A_51 = vector.load %arg12[%get3A_50] : memref<512xf32, #tpu.memory_space<vmem>>, vector<512xf32>
    %mul3A_52 = arith.constant 0.999994993 : f32
    %mul3A_53 = vector.broadcast %mul3A_52 : f32 to vector<512xf32>
    %mul3A_54 = arith.mulf %get3A_51, %mul3A_53 : vector<512xf32>
    %broadcast_in_dim3A_55 = vector.shape_cast %mul3A_54 : vector<512xf32> to vector<1x512xf32>
    %mul3A_56 = vector.broadcast %broadcast_in_dim3A_55 : vector<1x512xf32> to vector<2048x512xf32>
    %mul3A_57 = arith.mulf %max3A_49, %mul3A_56 : vector<2048x512xf32>
    %get3A_58 = arith.constant 0 : index
    %get3A_59 = vector.load %arg13[%get3A_58] : memref<512xf32, #tpu.memory_space<vmem>>, vector<512xf32>
    %broadcast_in_dim3A_60 = vector.shape_cast %get3A_59 : vector<512xf32> to vector<1x512xf32>
    %add3A_61 = vector.broadcast %broadcast_in_dim3A_60 : vector<1x512xf32> to vector<2048x512xf32>
    %add3A_62 = arith.addf %mul3A_57, %add3A_61 : vector<2048x512xf32>
    %get3A_63 = arith.constant 0 : index
    %get3A_64 = arith.constant 0 : index
    %get3A_65 = vector.load %arg14[%get3A_63, %get3A_64] : memref<512x256xf32, #tpu.memory_space<vmem>>, vector<512x256xf32>
    %dot_general3A_66 = arith.constant dense<0.000000e+00> : vector<2048x256xf32>
    %dot_general3A_67 = tpu.matmul %add3A_62, %get3A_65, %dot_general3A_66 {dimension_numbers = #tpu.dot_dimension_numbers<[1], [0], [0], [1], [0, 0, 1, 1], [], []>, transpose_lhs_hint = false} : vector<2048x512xf32>, vector<512x256xf32>, vector<2048x256xf32> -> vector<2048x256xf32>
    %get3A_68 = arith.constant 0 : index
    %get3A_69 = vector.load %arg15[%get3A_68] : memref<256xf32, #tpu.memory_space<vmem>>, vector<256xf32>
    %broadcast_in_dim3A_70 = vector.shape_cast %get3A_69 : vector<256xf32> to vector<1x256xf32>
    %add3A_71 = vector.broadcast %broadcast_in_dim3A_70 : vector<1x256xf32> to vector<2048x256xf32>
    %add3A_72 = arith.addf %dot_general3A_67, %add3A_71 : vector<2048x256xf32>
    %max3A_73 = arith.constant 0.000000e+00 : f32
    %max3A_74 = vector.broadcast %max3A_73 : f32 to vector<2048x256xf32>
    %max3A_75 = arith.maximumf %add3A_72, %max3A_74 : vector<2048x256xf32>
    %get3A_76 = arith.constant 0 : index
    %get3A_77 = vector.load %arg16[%get3A_76] : memref<256xf32, #tpu.memory_space<vmem>>, vector<256xf32>
    %mul3A_78 = arith.constant 0.999994993 : f32
    %mul3A_79 = vector.broadcast %mul3A_78 : f32 to vector<256xf32>
    %mul3A_80 = arith.mulf %get3A_77, %mul3A_79 : vector<256xf32>
    %broadcast_in_dim3A_81 = vector.shape_cast %mul3A_80 : vector<256xf32> to vector<1x256xf32>
    %mul3A_82 = vector.broadcast %broadcast_in_dim3A_81 : vector<1x256xf32> to vector<2048x256xf32>
    %mul3A_83 = arith.mulf %max3A_75, %mul3A_82 : vector<2048x256xf32>
    %get3A_84 = arith.constant 0 : index
    %get3A_85 = vector.load %arg17[%get3A_84] : memref<256xf32, #tpu.memory_space<vmem>>, vector<256xf32>
    %broadcast_in_dim3A_86 = vector.shape_cast %get3A_85 : vector<256xf32> to vector<1x256xf32>
    %add3A_87 = vector.broadcast %broadcast_in_dim3A_86 : vector<1x256xf32> to vector<2048x256xf32>
    %add3A_88 = arith.addf %mul3A_83, %add3A_87 : vector<2048x256xf32>
    %get3A_89 = arith.constant 0 : index
    %get3A_90 = arith.constant 0 : index
    %get3A_91 = vector.load %arg18[%get3A_89, %get3A_90] : memref<256x1xf32, #tpu.memory_space<vmem>>, vector<256x1xf32>
    %dot_general3A_92 = arith.constant dense<0.000000e+00> : vector<2048x1xf32>
    %dot_general3A_93 = tpu.matmul %add3A_88, %get3A_91, %dot_general3A_92 {dimension_numbers = #tpu.dot_dimension_numbers<[1], [0], [0], [1], [0, 0, 1, 1], [], []>, transpose_lhs_hint = false} : vector<2048x256xf32>, vector<256x1xf32>, vector<2048x1xf32> -> vector<2048x1xf32>
    %get3A_94 = arith.constant 0 : index
    %get3A_95 = vector.load %arg19[%get3A_94] : memref<1xf32, #tpu.memory_space<vmem>>, vector<1xf32>
    %broadcast_in_dim3A_96 = vector.shape_cast %get3A_95 : vector<1xf32> to vector<1x1xf32>
    %add3A_97 = vector.broadcast %broadcast_in_dim3A_96 : vector<1x1xf32> to vector<2048x1xf32>
    %add3A_98 = arith.addf %dot_general3A_93, %add3A_97 : vector<2048x1xf32>
    %swap3A = arith.constant 0 : index
    %swap3A_99 = arith.constant 0 : index
    %swap3A_100 = vector.load %arg20[%swap3A, %swap3A_99] : memref<2048x1xf32, #tpu.memory_space<vmem>>, vector<2048x1xf32>
    tpu.vector_store %arg20[%swap3A, %swap3A_99], %add3A_98 {strides = array<i32>} : memref<2048x1xf32, #tpu.memory_space<vmem>>, vector<2048x1xf32>,
    return
  }
  func.func @transform_0(%arg0: i32) -> (i32, i32) {
    %c0_i32 = arith.constant 0 : i32
    %c0_i32_0 = arith.constant 0 : i32
    return %arg0, %c0_i32 : i32, i32
  }
  func.func @transform_1(%arg0: i32) -> (i32, i32) {
    %c0_i32 = arith.constant 0 : i32
    %c0_i32_0 = arith.constant 0 : i32
    return %arg0, %c0_i32 : i32, i32
  }
  func.func @transform_2(%arg0: i32) -> (i32, i32) {
    %c0_i32 = arith.constant 0 : i32
    %c0_i32_0 = arith.constant 0 : i32
    return %arg0, %c0_i32 : i32, i32
  }
  func.func @transform_3(%arg0: i32) -> (i32, i32) {
    %c0_i32 = arith.constant 0 : i32
    %c0_i32_0 = arith.constant 0 : i32
    return %arg0, %c0_i32 : i32, i32
  }
  func.func @transform_4(%arg0: i32) -> i32 {
    %c0_i32 = arith.constant 0 : i32
    %c0_i32_0 = arith.constant 0 : i32
    return %c0_i32 : i32
  }
  func.func @transform_5(%arg0: i32) -> i32 {
    %c0_i32 = arith.constant 0 : i32
    %c0_i32_0 = arith.constant 0 : i32
    return %c0_i32 : i32
  }
  func.func @transform_6(%arg0: i32) -> (i32, i32) {
    %c0_i32 = arith.constant 0 : i32
    %c0_i32_0 = arith.constant 0 : i32
    %c0_i32_1 = arith.constant 0 : i32
    return %c0_i32, %c0_i32_0 : i32, i32
  }
  func.func @transform_7(%arg0: i32) -> (i32, i32) {
    %c0_i32 = arith.constant 0 : i32
    %c0_i32_0 = arith.constant 0 : i32
    %c0_i32_1 = arith.constant 0 : i32
    return %c0_i32, %c0_i32_0 : i32, i32
  }
  func.func @transform_8(%arg0: i32) -> (i32, i32) {
    %c0_i32 = arith.constant 0 : i32
    %c0_i32_0 = arith.constant 0 : i32
    %c0_i32_1 = arith.constant 0 : i32
    return %c0_i32, %c0_i32_0 : i32, i32
  }
  func.func @transform_9(%arg0: i32) -> (i32, i32) {
    %c0_i32 = arith.constant 0 : i32
    %c0_i32_0 = arith.constant 0 : i32
    %c0_i32_1 = arith.constant 0 : i32
    return %c0_i32, %c0_i32_0 : i32, i32
  }
  func.func @transform_10(%arg0: i32) -> i32 {
    %c0_i32 = arith.constant 0 : i32
    %c0_i32_0 = arith.constant 0 : i32
    return %c0_i32 : i32
  }
  func.func @transform_11(%arg0: i32) -> i32 {
    %c0_i32 = arith.constant 0 : i32
    %c0_i32_0 = arith.constant 0 : i32
    return %c0_i32 : i32
  }
  func.func @transform_12(%arg0: i32) -> i32 {
    %c0_i32 = arith.constant 0 : i32
    %c0_i32_0 = arith.constant 0 : i32
    return %c0_i32 : i32
  }
  func.func @transform_13(%arg0: i32) -> (i32, i32) {
    %c0_i32 = arith.constant 0 : i32
    %c0_i32_0 = arith.constant 0 : i32
    %c0_i32_1 = arith.constant 0 : i32
    return %c0_i32, %c0_i32_0 : i32, i32
  }
  func.func @transform_14(%arg0: i32) -> i32 {
    %c0_i32 = arith.constant 0 : i32
    %c0_i32_0 = arith.constant 0 : i32
    return %c0_i32 : i32
  }
  func.func @transform_15(%arg0: i32) -> i32 {
    %c0_i32 = arith.constant 0 : i32
    %c0_i32_0 = arith.constant 0 : i32
    return %c0_i32 : i32
  }
  func.func @transform_16(%arg0: i32) -> i32 {
    %c0_i32 = arith.constant 0 : i32
    %c0_i32_0 = arith.constant 0 : i32
    return %c0_i32 : i32
  }
  func.func @transform_17(%arg0: i32) -> (i32, i32) {
    %c0_i32 = arith.constant 0 : i32
    %c0_i32_0 = arith.constant 0 : i32
    %c0_i32_1 = arith.constant 0 : i32
    return %c0_i32, %c0_i32_0 : i32, i32
  }
  func.func @transform_18(%arg0: i32) -> i32 {
    %c0_i32 = arith.constant 0 : i32
    %c0_i32_0 = arith.constant 0 : i32
    return %c0_i32 : i32
  }
  func.func @transform_19(%arg0: i32) -> (i32, i32) {
    %c0_i32 = arith.constant 0 : i32
    %c0_i32_0 = arith.constant 0 : i32
    return %arg0, %c0_i32 : i32, i32
  }
}

</mosaic_0001>

<sc_bundles>
// kernel: kernel.5.cloned.1.call-start
scs
__scs_entry_jumppad:
0x0: {  	(pc) =	sbr.rel $0x88, $3  }
0x1: {  	(tag) =	ssettag $0x0;
	lr =	simm.s32 $0x1  }
0x2: {  	[smem:$0x3F91] =	sst lr;
	_ =	strace $0xD0000000  }
0x3: {  	_ = 	snop  }
0x4: {  	_ = 	snop  }
0x5: {  	_ = 	snop  }
0x6: {  	_ = 	snop  }
0x7: {  	_ = 	snop  }
__scs_overlays_trampoline_lowered:
0x8: {  	[smem:$0x3FA0] =	sst s0  }
0x9: {  	[smem:$0x3FA1] =	sst s1  }
0xa: {  	[smem:$0x3FA2] =	sst s2  }
0xb: {  	[smem:$0x3FA3] =	sst s3  }
0xc: {  	[smem:$0x3FA4] =	sst s4  }
0xd: {  	[smem:$0x3FA5] =	sst s5  }
0xe: {  	[smem:$0x3FA6] =	sst s6  }
0xf: {  	[smem:$0x3FA7] =	sst s7  }
0x10: {  	[smem:$0x3FA8] =	sst s8  }
0x11: {  	[smem:$0x3FA9] =	sst s9;
	s0 =	simm.s32 @!p0 $0x0  }
0x12: {  	s1 =	sld [smem:$0x3F8F];
	s0 =	simm.s32 @p0 $0x1  }
0x13: {  	[smem:$0x3FAA] =	sst s0;
	s0 =	simm.s32 @!p1 $0x0  }
0x14: {  	s2 =	sld [smem:$0x3F8E];
	s0 =	simm.s32 @p1 $0x1  }
0x15: {  	[smem:$0x3FAB] =	sst s0;
	s0 =	simm.s32 @!p2 $0x0  }
0x16: {  	s3 =	sld [smem:$0x3FDB];
	s0 =	simm.s32 @p2 $0x1  }
0x17: {  	s4 =	simm.s32 $0x1BF5;
	[smem:$0x3FAD] =	sst s0  }
0x18: {  	s0 =	sld [smem:$0x3F90];
	_ =	swait.ge [sflag:s4], $0x0  }
0x19: {  	s7 =	sld [smem:$0x3F91]  }
0x1a: {  	s8 =	sadd.s32 $0xFFFFE003, lr  }
0x1b: {  	s9 =	sadd.s32 $0xFFFFFEF7, lr;
	s5 =	simm.s32 $0xFFFFFFFF;
	p2 =	slt.u32 s8, $0xFFFFF086  }
0x1c: {  	p1 =	slt.u32 s9, $0xF7A;
	s5 =	simm.s32 @!p2 $0x0  }
0x1d: {  	s5 =	simm.s32 @p1 $0x1;
	p0 =	seq.s32 s7, s2  }
0x1e: {  	s7 =	smul.u32 @!p0 $0xF7A, s2;
	p2 =	seq.s32 @!p0 s5, $0x0  }
0x1f: {  	s9 =	smul.u32 $0xF7A, s1;
	s8 =	simm.s32 @!p0 $0x1BF5;
	p2 =	por !p2, p0  }
0x20: {  	[sflag:s8] =	ssyncset.s32 @!p0 $0xFFFFF086;
	s6 =	sadd.s32 @!p0 s3, s7;
	s7 =	simm.s32 @!p0 $0x108  }
0x21: {  	s3 =	sadd.s32 s3, s9;
	s6 =	sadd.s32 @!p0 $0x88, s6;
	s7 =	simm.s32 @p2 $0x1082  }
0x22: {  	[simem:s7], [sflag:s8] =	dma.local @!p0 [hbm:s6], $0xF7A  }
0x23: {  	s9 =	sor.u32 $0xD0000000, s2;
	s6 =	simm.s32 $0x108;
	_ =	swait.ge @!p0 [sflag:s8], $0x0  }
0x24: {  	s3 =	sadd.s32 $0x88, s3;
	s6 =	simm.s32 @!p1 $0x1082;
	[sflag:s4] =	ssyncset.s32 $0xFFFFF086  }
0x25: {  	[simem:s6], [sflag:s4] =	dma.local [hbm:s3], $0xF7A  }
0x26: {  	[smem:$0x3F91] =	sst s1;
	(tag) =	ssettag s2;
	_ =	strace s9  }
0x27: {  	s1 =	sld [smem:$0x3FA1]  }
0x28: {  	s2 =	sld [smem:$0x3FA2]  }
0x29: {  	s4 =	sld [smem:$0x3FA4]  }
0x2a: {  	p0 =	seq.s32 s5, $0x0;
	s5 =	sld [smem:$0x3FA5]  }
0x2b: {  	s6 =	sld [smem:$0x3FA6]  }
0x2c: {  	s7 =	sld [smem:$0x3FA7]  }
0x2d: {  	s3 =	simm.s32 $0x108;
	s8 =	sld [smem:$0x3FA8]  }
0x2e: {  	s3 =	simm.s32 @!p0 $0x1082;
	s9 =	sld [smem:$0x3FA9]  }
0x2f: {  	lr =	sadd.s32 s0, s3;
	s0 =	sld [smem:$0x3FA0]  }
0x30: {  	s3 =	sld [smem:$0x3FA3]  }
0x31: {  	[smem:$0x3FAC] =	sst s10  }
0x32: {  	s10 =	sld [smem:$0x3FAA];
	_ =	sdelay $0x3  }
0x33: {  	p0 =	seq.s32 s10, $0x1;
	s10 =	sld [smem:$0x3FAC];
	_ =	sdelay $0x3  }
0x34: {  	[smem:$0x3FAC] =	sst s10  }
0x35: {  	s10 =	sld [smem:$0x3FAB];
	_ =	sdelay $0x3  }
0x36: {  	p1 =	seq.s32 s10, $0x1;
	s10 =	sld [smem:$0x3FAC];
	_ =	sdelay $0x3  }
0x37: {  	[smem:$0x3FAC] =	sst s10  }
0x38: {  	s10 =	sld [smem:$0x3FAD]  }
0x39: {  	_ = 	snop;
	(pc) =	sbr.ind lr, $3  }
0x3a: {  	_ = 	snop  }
0x3b: {  	_ = 	snop  }
0x3c: {  	p2 =	seq.s32 s10, $0x1;
	s10 =	sld [smem:$0x3FAC]  }
0x3d: {  	_ =	shalt  }
0x3e: {  	_ =	shalt  }
0x3f: {  	_ =	shalt  }
0x40: {  	_ =	shalt  }
0x41: {  	_ =	shalt  }
0x42: {  	_ =	shalt  }
0x43: {  	_ =	shalt  }
0x44: {  	_ =	shalt  }
0x45: {  	_ =	shalt  }
0x46: {  	_ =	shalt  }
0x47: {  	_ =	shalt  }
0x48: {  	_ =	shalt  }
0x49: {  	_ =	shalt  }
0x4a: {  	_ =	shalt  }
0x4b: {  	_ =	shalt  }
0x4c: {  	_ =	shalt  }
0x4d: {  	_ =	shalt  }
0x4e: {  	_ =	shalt  }
0x4f: {  	_ =	shalt  }
0x50: {  	_ =	shalt  }
0x51: {  	_ =	shalt  }
0x52: {  	_ =	shalt  }
0x53: {  	_ =	shalt  }
0x54: {  	_ =	shalt  }
0x55: {  	_ =	shalt  }
0x56: {  	_ =	shalt  }
0x57: {  	_ =	shalt  }
0x58: {  	_ =	shalt  }
0x59: {  	_ =	shalt  }
0x5a: {  	_ =	shalt  }
0x5b: {  	_ =	shalt  }
0x5c: {  	_ =	shalt  }
0x5d: {  	_ =	shalt  }
0x5e: {  	_ =	shalt  }
0x5f: {  	_ =	shalt  }
0x60: {  	_ =	shalt  }
0x61: {  	_ =	shalt  }
0x62: {  	_ =	shalt  }
0x63: {  	_ =	shalt  }
0x64: {  	_ =	shalt  }
0x65: {  	_ =	shalt  }
0x66: {  	_ =	shalt  }
0x67: {  	_ =	shalt  }
0x68: {  	_ =	shalt  }
0x69: {  	_ =	shalt  }
0x6a: {  	_ =	shalt  }
0x6b: {  	_ =	shalt  }
0x6c: {  	_ =	shalt  }
0x6d: {  	_ =	shalt  }
0x6e: {  	_ =	shalt  }
0x6f: {  	_ =	shalt  }
0x70: {  	_ =	shalt  }
0x71: {  	_ =	shalt  }
0x72: {  	_ =	shalt  }
0x73: {  	_ =	shalt  }
0x74: {  	_ =	shalt  }
0x75: {  	_ =	shalt  }
0x76: {  	_ =	shalt  }
0x77: {  	_ =	shalt  }
0x78: {  	_ =	shalt  }
0x79: {  	_ =	shalt  }
0x7a: {  	_ =	shalt  }
0x7b: {  	_ =	shalt  }
0x7c: {  	_ =	shalt  }
0x7d: {  	_ =	shalt  }
0x7e: {  	_ =	shalt  }
0x7f: {  	_ =	shalt  }
0x80: {  	_ =	shalt  }
0x81: {  	_ =	shalt  }
0x82: {  	_ =	shalt  }
0x83: {  	_ =	shalt  }
0x84: {  	_ =	shalt  }
0x85: {  	_ =	shalt  }
0x86: {  	_ =	shalt  }
0x87: {  	_ =	shalt  }
.Lfunc_end0:
.L_simem_size_0:
called_computation_lowered:
.L_overlay_start_0:
0x88: {  	s2 =	sld [smem:$0x3FD9]  }
0x89: {  	s3 =	sld [smem:$0x3FFE];
	_ =	sdelay $0x1  }
0x8a: {  	s1 =	srdreg.scid  }
0x8b: {  	s0 =	sand.u32 $0x1, s1  }
0x8c: {  	s17 =	sshll.u32 s0, $0xA;
	s2 =	sadd.s32 s3, s2  }
0x8d: {  	s2 =	sadd.s32 s2, s17  }
0x8e: {  	[smem:$0x3FB8] =	sst s2  }
0x8f: {  	_ = 	snop  }
0x90: {  	s18 =	sld [smem:$0x3FD0];
	(tm) =	ssettm $0x1  }
0x91: {  	s19 =	sld [smem:$0x3FFB];
	_ =	sdelay $0x3  }
0x92: {  	_ =	strace s19  }
0x93: {  	s2 =	sld [smem:$0x3FFC];
	_ =	sdelay $0x3  }
0x94: {  	_ =	strace s2  }
0x95: {  	s2 =	sld [smem:$0x3FFD];
	_ =	sdelay $0x3  }
0x96: {  	_ =	strace s2  }
0x97: {  	_ =	strace $0x8FFFFFFF  }
0x98: {  	s20 =	sld [smem:$0x3FDB];
	_ =	sdelay $0x1  }
0x99: {  	s4 =	simm.s32 $_scs_section_size  }
0x9a: {  	s5 =	simm.s32 $_size__tile_overlayer_lowered;
	s6 =	simm.s32 $_tile_overlayer_lowered  }
0x9b: {  	s7 =	simm.s32 $0x1BFF;
	s21 =	sshll.u32 s6, $0x1;
	s4 =	sadd.s32 s4, s20  }
0x9c: {  	s22 =	simm.s32 $0x0;
	s5 =	sshll.u32 s5, $0x1;
	s6 =	sadd.s32 s21, s4  }
0x9d: {  	[timem:s22], [sflag:s7] =	dma.local [hbm:s6], s5  }
0x9e: {  	_ =	swait.ge [sflag:s7], s5  }
0x9f: {  	s5 =	ssub.s32 $0x0, s5;
	[sflag:s7] =	ssyncset.done $0x0  }
0xa0: {  	[sflag:s7] =	ssyncadd.s32 s5;
	_ =	sdelay $0x1  }
0xa1: {  	s23 =	simm.s32 $0x1B8B  }
0xa2: {  	_ =	swait.ge [sflag:s23], $0x1  }
0xa3: {  	[sflag:s23] =	ssyncset.done $0x0  }
0xa4: {  	[sflag:s23] =	ssyncadd.s32 $0xFFFFFFFF  }
0xa5: {  	s5 =	sld [smem:$0x0]  }
0xa6: {  	s6 =	sand.u32 $0xFFFFFFFE, s1  }
0xa7: {  	p0 =	sne.s32 s1, s6  }
0xa8: {  	s6 =	sshll.u32 @p0 s6, $0xE  }
0xa9: {  	s6 =	sadd.s32 @p0 $0x11B8D, s6;
	s7 =	sshll.u32 @p0 s5, $0x11  }
0xaa: {  	s6 =	sor.u32 @p0 s7, s6  }
0xab: {  	[sflag:s6] =	ssyncadd.remote.s32 @p0 $0x1;
	_ =	sdelay $0x1  }
0xac: {  	s6 =	simm.s32 @p0 $0x1B8D  }
0xad: {  	_ =	swait.eq @p0 [sflag:s6], $0x1  }
0xae: {  	[sflag:s6] =	ssyncadd.s32 @p0 $0xFFFFFFFF  }
0xaf: {  	s7 =	sshll.u32 @!p0 s1, $0xE  }
0xb0: {  	s7 =	sor.u32 @!p0 $0x4000, s7;
	s6 =	simm.s32 @!p0 $0x1B8D  }
0xb1: {  	s5 =	sshll.u32 @!p0 s5, $0x11;
	s7 =	sadd.s32 @!p0 $0x11B8D, s7;
	_ =	swait.eq @!p0 [sflag:s6], $0x1  }
0xb2: {  	s5 =	sor.u32 @!p0 s5, s7;
	[sflag:s6] =	ssyncadd.s32 @!p0 $0xFFFFFFFF  }
0xb3: {  	s25 =	simm.s32 $0x1B8E;
	s24 =	sld [smem:$0x3FFE];
	[sflag:s5] =	ssyncadd.remote.s32 @!p0 $0x1  }
0xb4: {  	s26 =	simm.s32 $execute0_lowered;
	[smem:$0x3FD2] =	sst s25  }
0xb5: {  	s6 =	sshll.u32 s26, $0x1;
	_ =	strace $0x80000049;
	[dreg:$0x1] =	wrdreg $0xFFFFFFFF  }
0xb6: {  	s28 =	simm.s32 $_size_execute0_lowered;
	s4 =	sadd.s32 s4, s6;
	[dreg:$0x0] =	wrdreg $0x0  }
0xb7: {  	s6 =	sshll.u32 s28, $0x1;
	[dreg:$0x2] =	wrdreg s4  }
0xb8: {  	[dreg:$0x3] =	wrdreg s6  }
0xb9: {  	[dreg:$0x4] =	wrdreg $0xC0  }
0xba: {  	_ =	task [dreg:s22], $0x5FFFF  }
0xbb: {  	[dreg:$0x1] =	wrdreg $0xFFFFFFFF  }
0xbc: {  	[dreg:$0x0] =	wrdreg $0x60  }
0xbd: {  	[dreg:$0x2] =	wrdreg s24  }
0xbe: {  	[dreg:$0x3] =	wrdreg s18  }
0xbf: {  	[dreg:$0x4] =	wrdreg $0x9  }
0xc0: {  	_ =	task.clear_ibuf [dreg:s22], $0x5FFFF;
	_ =	strace $0x90000049  }
0xc1: {  	s29 =	simm.s32 $0x9;
	_ =	strace $0x8000004B  }
0xc2: {  	_ =	swait.ge [sflag:s29], $0x1  }
0xc3: {  	[sflag:s29] =	ssyncadd.s32 $0xFFFFFFFF  }
0xc4: {  	_ =	strace $0x9000004B  }
0xc5: {  	_ =	sfence  }
0xc6: {  	s30 =	sld [smem:$0x0];
	_ =	sdelay $0x2  }
0xc7: {  	s31 =	sshll.u32 s1, $0xD;
	s1 =	sshrl.u32 s1, $0x2  }
0xc8: {  	s4 =	sand.u32 $0x4000, s31;
	s1 =	sadd.s32 s1, s30  }
0xc9: {  	s0 =	sor.u32 s4, s0;
	s1 =	sshll.u32 s1, $0x11  }
0xca: {  	s0 =	sor.u32 s1, s0  }
0xcb: {  	s0 =	sadd.s32 $0x8F2B, s0  }
0xcc: {  	[sflag:s0] =	ssyncadd.remote.s32 $0x1  }
0xcd: {  	_ =	sfence.sel $0xFFFF  }
0xce: {  	[dreg:$0x0] =	wrdreg $0xFFFFFFFF;
	(pc) =	sbr.abs _section_cstart, $3  }
0xcf: {  	[dreg:$0x1] =	wrdreg $0xFFFFFFFF  }
0xd0: {  	_ =	task.clear_ibuf [dreg:s22], $0x2FFFF;
	_ =	strace $0x9FFFFFFF  }
0xd1: {  	(tm) =	ssettm $0x7FFFFFFF  }
tec
execute0_lowered:
.L_overlay_start_1:
0x0: {  	(tag) =	ssettag $0x1  }
0x1: {  	s5 =	rddreg [dreg:$0x0]  }
0x2: {  	s7 =	rddreg [dreg:$0x1]  }
0x3: {  	s2 =	srdreg.scid;
	s0 =	rddreg [dreg:$0x2]  }
0x4: {  	s1 =	stileid.u32;
	s13 =	simm.s32 $0x3;
	s14 =	simm.s32 $0x5  }
0x5: {  	s15 =	simm.s32 $0x6;
	s16 =	simm.s32 $0x7;
	s17 =	simm.s32 $0x8  }
0x6: {  	s18 =	simm.s32 $0x200;
	s19 =	simm.s32 $0x4;
	s20 =	simm.s32 $0x0  }
0x7: {  	s4 =	sand.u32 $0x1, s2;
	s2 =	simm.s32 $0x0;
	s3 =	sshll.u32 s1, $0xA  }
0x8: {  	s6 =	sshll.u32 s4, $0x9;
	[smem:$0x7FF] =	sst s2;
	s10 =	ssub.s32 $0x2, s4  }
0x9: {  	s4 =	sadd.s32 $0x110CA00, s5;
	s6 =	sor.u32 s6, s3;
	_ =	strace $0x8000004A  }
0xa: {  	s3 =	sadd.s32 $0xF86000, s5;
	s11 =	sshrl.u32 s10, $0x1;
	s8 =	sshrl.u32 s6, $0x3  }
0xb: {  	s6 =	sshll.u32 s6, $0x4;
	s10 =	ssub.s32 s10, s11;
	s11 =	simm.s32 $0x1  }
0xc: {  	s9 =	sadd.s32 s8, s5;
	s12 =	sadd.s32 s6, s5;
	s7 =	sadd.s32 s7, s8  }
0xd: {  	s5 =	sadd.s32 $0x3400, s9;
	s6 =	sadd.s32 $0x1293400, s12;
	s8 =	sadd.s32 $0x12D3400, s12  }
0xe: {  	s9 =	smax.u32 s10, $0x1;
	s10 =	simm.s32 $0x9;
	s12 =	simm.s32 $0x2  }
.LBB2_1:
0xf: {  	[tilespmem:s2], [sflag:$0x9] =	stream.linear.gather [hbm4b:s5+s2], $0x200, $0x38;
	[tilespmem:$0x10200] =	vst v63  }
0x10: {  	_ =	swait.ge [sflag:s10], $0x200  }
0x11: {  	[sflag:s10] =	ssyncset.done $0x0  }
0x12: {  	[sflag:s10] =	ssyncadd.s32 $0xFFFFFE00  }
0x13: {  	v0 =	vld.msk [tilespmem:s19+$0xFFFFFFFC], $0x1;
	_ =	sdelay $0x4  }
0x14: {  	(v2sf) =	vpush v0, $0x0;
	_ =	sdelay $0xe  }
0x15: {  	s21 =	spop (v2sf)  }
0x16: {  	s21 =	sshll.u32 s21, $0x4  }
0x17: {  	s21 =	sand.u32 $0x1FFFFFF0, s21  }
0x18: {  	s22 =	simm.s32 $0x200;
	s21 =	sadd.s32 s3, s21  }
0x19: {  	[tilespmem:s22], [sflag:$0x1] =	stream.linear.gather [hbm4b:s21+s2], $0x80, $0x38;
	[tilespmem:$0x10200] =	vst v63  }
0x1a: {  	v57 =	vld.msk [tilespmem:s19+$0xFFFFFFFD], $0x1;
	_ =	sdelay $0x4  }
0x1b: {  	(v2sf) =	vpush v57, $0x0;
	_ =	sdelay $0xe  }
0x1c: {  	s25 =	spop (v2sf)  }
0x1d: {  	s21 =	sshll.u32 s25, $0x4  }
0x1e: {  	s21 =	sand.u32 $0x1FFFFFF0, s21  }
0x1f: {  	s26 =	simm.s32 $0x280;
	s21 =	sadd.s32 s3, s21  }
0x20: {  	[tilespmem:s26], [sflag:$0x2] =	stream.linear.gather [hbm4b:s21+s2], $0x80, $0x38;
	[tilespmem:$0x10200] =	vst v63  }
0x21: {  	v58 =	vld.msk [tilespmem:s19+$0xFFFFFFFE], $0x1;
	_ =	sdelay $0x4  }
0x22: {  	(v2sf) =	vpush v58, $0x0;
	_ =	sdelay $0xe  }
0x23: {  	s28 =	spop (v2sf)  }
0x24: {  	s21 =	sshll.u32 s28, $0x4  }
0x25: {  	s21 =	sand.u32 $0x1FFFFFF0, s21  }
0x26: {  	s29 =	simm.s32 $0x300;
	s21 =	sadd.s32 s3, s21  }
0x27: {  	[tilespmem:s29], [sflag:$0x3] =	stream.linear.gather [hbm4b:s21+s2], $0x80, $0x38;
	[tilespmem:$0x10200] =	vst v63  }
0x28: {  	v59 =	vld.msk [tilespmem:s19+$0xFFFFFFFF], $0x1;
	_ =	sdelay $0x4  }
0x29: {  	(v2sf) =	vpush v59, $0x0;
	_ =	sdelay $0xe  }
0x2a: {  	s30 =	spop (v2sf)  }
0x2b: {  	s21 =	sshll.u32 s30, $0x4  }
0x2c: {  	s21 =	sand.u32 $0x1FFFFFF0, s21  }
0x2d: {  	s31 =	simm.s32 $0x380;
	s21 =	sadd.s32 s3, s21  }
0x2e: {  	[tilespmem:s31], [sflag:$0x4] =	stream.linear.gather [hbm4b:s21+s2], $0x80, $0x38;
	[tilespmem:$0x10200] =	vst v63  }
0x2f: {  	v60 =	vld.msk [tilespmem:s19+$0x0], $0x1;
	_ =	sdelay $0x4  }
0x30: {  	(v2sf) =	vpush v60, $0x0;
	_ =	sdelay $0xe  }
0x31: {  	s23 =	spop (v2sf)  }
0x32: {  	s21 =	sshll.u32 s23, $0x4  }
0x33: {  	s21 =	sand.u32 $0x1FFFFFF0, s21  }
0x34: {  	s24 =	simm.s32 $0x400;
	s21 =	sadd.s32 s3, s21  }
0x35: {  	[tilespmem:s24], [sflag:$0x5] =	stream.linear.gather [hbm4b:s21+s2], $0x80, $0x38;
	[tilespmem:$0x10200] =	vst v63  }
0x36: {  	v61 =	vld.msk [tilespmem:s19+$0x1], $0x1;
	_ =	sdelay $0x4  }
0x37: {  	(v2sf) =	vpush v61, $0x0;
	_ =	sdelay $0xe  }
0x38: {  	s25 =	spop (v2sf)  }
0x39: {  	s21 =	sshll.u32 s25, $0x4  }
0x3a: {  	s21 =	sand.u32 $0x1FFFFFF0, s21  }
0x3b: {  	s26 =	simm.s32 $0x480;
	s21 =	sadd.s32 s3, s21  }
0x3c: {  	[tilespmem:s26], [sflag:$0x6] =	stream.linear.gather [hbm4b:s21+s2], $0x80, $0x38;
	[tilespmem:$0x10200] =	vst v63  }
0x3d: {  	v62 =	vld.msk [tilespmem:s19+$0x2], $0x1;
	_ =	sdelay $0x4  }
0x3e: {  	(v2sf) =	vpush v62, $0x0;
	_ =	sdelay $0xe  }
0x3f: {  	s28 =	spop (v2sf)  }
0x40: {  	s21 =	sshll.u32 s28, $0x4  }
0x41: {  	s21 =	sand.u32 $0x1FFFFFF0, s21  }
0x42: {  	s29 =	simm.s32 $0x500;
	s21 =	sadd.s32 s3, s21  }
0x43: {  	[tilespmem:s29], [sflag:$0x7] =	stream.linear.gather [hbm4b:s21+s2], $0x80, $0x38;
	[tilespmem:$0x10200] =	vst v63  }
0x44: {  	v63 =	vld.msk [tilespmem:s19+$0x3], $0x1;
	_ =	sdelay $0x4  }
0x45: {  	(v2sf) =	vpush v63, $0x0;
	_ =	sdelay $0xe  }
0x46: {  	s30 =	spop (v2sf)  }
0x47: {  	s31 =	sshll.u32 s30, $0x4  }
0x48: {  	s23 =	simm.s32 $0x580;
	s22 =	sand.u32 $0x1FFFFFF0, s31  }
0x49: {  	s21 =	simm.s32 $0x1000;
	s24 =	sadd.s32 s3, s22;
	s22 =	simm.s32 $0xC  }
.LBB2_2:
0x4a: {  	[tilespmem:s23], [sflag:$0x8] =	stream.linear.gather [hbm4b:s24+s2], $0x80, $0x38;
	[tilespmem:$0x10200] =	vst v63  }
0x4b: {  	p0 =	sne.s32 s21, $0x3F000;
	s23 =	smov.u32 s21;
	s21 =	sadd.s32 $0x1000, s21;
	v0 =	vld.msk [tilespmem:s22+$0xFFFFFFFC], $0x1  }
0x4c: {  	_ =	sdelay $0x3  }
0x4d: {  	(v2sf) =	vpush v0, $0x0;
	_ =	sdelay $0xe  }
0x4e: {  	s24 =	spop (v2sf)  }
0x4f: {  	s24 =	sshll.u32 s24, $0x4  }
0x50: {  	s23 =	sshra.s32 s23, $0x2;
	s24 =	sand.u32 $0x1FFFFFF0, s24  }
0x51: {  	s25 =	sadd.s32 $0x200, s23;
	s24 =	sadd.s32 s3, s24  }
0x52: {  	[tilespmem:s25], [sflag:$0x1] =	stream.linear.gather [hbm4b:s24+s2], $0x80, $0x38;
	[tilespmem:$0x10200] =	vst v63  }
0x53: {  	v0 =	vld.msk [tilespmem:s22+$0xFFFFFFFD], $0x1;
	_ =	sdelay $0x4  }
0x54: {  	(v2sf) =	vpush v0, $0x0;
	_ =	sdelay $0xe  }
0x55: {  	s24 =	spop (v2sf)  }
0x56: {  	s24 =	sshll.u32 s24, $0x4  }
0x57: {  	s24 =	sand.u32 $0x1FFFFFF0, s24  }
0x58: {  	s25 =	sadd.s32 $0x280, s23;
	s24 =	sadd.s32 s3, s24  }
0x59: {  	[tilespmem:s25], [sflag:$0x2] =	stream.linear.gather [hbm4b:s24+s2], $0x80, $0x38;
	[tilespmem:$0x10200] =	vst v63  }
0x5a: {  	v0 =	vld.msk [tilespmem:s22+$0xFFFFFFFE], $0x1;
	_ =	sdelay $0x4  }
0x5b: {  	(v2sf) =	vpush v0, $0x0;
	_ =	sdelay $0xe  }
0x5c: {  	s24 =	spop (v2sf)  }
0x5d: {  	s24 =	sshll.u32 s24, $0x4  }
0x5e: {  	s24 =	sand.u32 $0x1FFFFFF0, s24  }
0x5f: {  	s25 =	sadd.s32 $0x300, s23;
	s24 =	sadd.s32 s3, s24  }
0x60: {  	[tilespmem:s25], [sflag:$0x3] =	stream.linear.gather [hbm4b:s24+s2], $0x80, $0x38;
	[tilespmem:$0x10200] =	vst v63  }
0x61: {  	v0 =	vld.msk [tilespmem:s22+$0xFFFFFFFF], $0x1;
	_ =	sdelay $0x4  }
0x62: {  	(v2sf) =	vpush v0, $0x0;
	_ =	sdelay $0xe  }
0x63: {  	s24 =	spop (v2sf)  }
0x64: {  	s24 =	sshll.u32 s24, $0x4  }
0x65: {  	s24 =	sand.u32 $0x1FFFFFF0, s24  }
0x66: {  	s25 =	sadd.s32 $0x380, s23;
	s24 =	sadd.s32 s3, s24  }
0x67: {  	[tilespmem:s25], [sflag:$0x4] =	stream.linear.gather [hbm4b:s24+s2], $0x80, $0x38;
	[tilespmem:$0x10200] =	vst v63  }
0x68: {  	v0 =	vld.msk [tilespmem:s22+$0x0], $0x1;
	_ =	sdelay $0x4  }
0x69: {  	(v2sf) =	vpush v0, $0x0;
	_ =	sdelay $0xe  }
0x6a: {  	s24 =	spop (v2sf)  }
0x6b: {  	s24 =	sshll.u32 s24, $0x4  }
0x6c: {  	s24 =	sand.u32 $0x1FFFFFF0, s24  }
0x6d: {  	s25 =	sadd.s32 $0x400, s23;
	s24 =	sadd.s32 s3, s24  }
0x6e: {  	[tilespmem:s25], [sflag:$0x5] =	stream.linear.gather [hbm4b:s24+s2], $0x80, $0x38;
	[tilespmem:$0x10200] =	vst v63  }
0x6f: {  	v0 =	vld.msk [tilespmem:s22+$0x1], $0x1;
	_ =	sdelay $0x4  }
0x70: {  	(v2sf) =	vpush v0, $0x0;
	_ =	sdelay $0xe  }
0x71: {  	s24 =	spop (v2sf)  }
0x72: {  	s24 =	sshll.u32 s24, $0x4  }
0x73: {  	s24 =	sand.u32 $0x1FFFFFF0, s24  }
0x74: {  	s25 =	sadd.s32 $0x480, s23;
	s24 =	sadd.s32 s3, s24  }
0x75: {  	[tilespmem:s25], [sflag:$0x6] =	stream.linear.gather [hbm4b:s24+s2], $0x80, $0x38;
	[tilespmem:$0x10200] =	vst v63  }
0x76: {  	v0 =	vld.msk [tilespmem:s22+$0x2], $0x1;
	_ =	sdelay $0x4  }
0x77: {  	(v2sf) =	vpush v0, $0x0;
	_ =	sdelay $0xe  }
0x78: {  	s24 =	spop (v2sf)  }
0x79: {  	s24 =	sshll.u32 s24, $0x4  }
0x7a: {  	s24 =	sand.u32 $0x1FFFFFF0, s24  }
0x7b: {  	s25 =	sadd.s32 $0x500, s23;
	s24 =	sadd.s32 s3, s24  }
0x7c: {  	[tilespmem:s25], [sflag:$0x7] =	stream.linear.gather [hbm4b:s24+s2], $0x80, $0x38;
	[tilespmem:$0x10200] =	vst v63  }
0x7d: {  	v0 =	vld.msk [tilespmem:s22+$0x3], $0x1;
	_ =	sdelay $0x4  }
0x7e: {  	(v2sf) =	vpush v0, $0x0;
	_ =	sdelay $0xd  }
.Ltmp0:
0x7f: {  	(pc) =	sbr.rel @p0 .LBB2_2-.Ltmp0, $4  }
0x80: {  	s24 =	spop (v2sf)  }
0x81: {  	s24 =	sshll.u32 s24, $0x4  }
0x82: {  	s24 =	sand.u32 $0x1FFFFFF0, s24  }
0x83: {  	s23 =	sadd.s32 $0x580, s23;
	s22 =	sadd.s32 $0x8, s22;
	s24 =	sadd.s32 s3, s24  }
0x84: {  	[tilespmem:s23], [sflag:$0x8] =	stream.linear.gather [hbm4b:s24+s2], $0x80, $0x38;
	[tilespmem:$0x10200] =	vst v63  }
0x85: {  	_ =	swait.ge [sflag:s11], $0x2000  }
0x86: {  	[sflag:s11] =	ssyncset.done $0x0  }
0x87: {  	[sflag:s11] =	ssyncadd.s32 $0xFFFFE000  }
0x88: {  	_ =	swait.ge [sflag:s12], $0x2000  }
0x89: {  	[sflag:s12] =	ssyncset.done $0x0  }
0x8a: {  	[sflag:s12] =	ssyncadd.s32 $0xFFFFE000  }
0x8b: {  	_ =	swait.ge [sflag:s13], $0x2000  }
0x8c: {  	[sflag:s13] =	ssyncset.done $0x0  }
0x8d: {  	s21 =	simm.s32 $0x4;
	[sflag:s13] =	ssyncadd.s32 $0xFFFFE000  }
0x8e: {  	_ =	swait.ge [sflag:s21], $0x2000  }
0x8f: {  	[sflag:s21] =	ssyncset.done $0x0  }
0x90: {  	[sflag:s21] =	ssyncadd.s32 $0xFFFFE000  }
0x91: {  	_ =	swait.ge [sflag:s14], $0x2000  }
0x92: {  	[sflag:s14] =	ssyncset.done $0x0  }
0x93: {  	[sflag:s14] =	ssyncadd.s32 $0xFFFFE000  }
0x94: {  	_ =	swait.ge [sflag:s15], $0x2000  }
0x95: {  	[sflag:s15] =	ssyncset.done $0x0  }
0x96: {  	[sflag:s15] =	ssyncadd.s32 $0xFFFFE000  }
0x97: {  	_ =	swait.ge [sflag:s16], $0x2000  }
0x98: {  	[sflag:s16] =	ssyncset.done $0x0  }
0x99: {  	[sflag:s16] =	ssyncadd.s32 $0xFFFFE000  }
0x9a: {  	_ =	swait.ge [sflag:s17], $0x2000  }
0x9b: {  	[sflag:s17] =	ssyncset.done $0x0  }
0x9c: {  	s22 =	simm.s32 $0x0;
	[sflag:s17] =	ssyncadd.s32 $0xFFFFE000  }
0x9d: {  	[hbm4b:s6+s22] =	stream.linear.scatter [tilespmem:s18], [sflag:$0x9], $0x10000, $0x38;
	[tilespmem:$0x10200] =	vst v63  }
0x9e: {  	_ =	swait.ge [sflag:s10], $0x10000  }
0x9f: {  	[sflag:s10] =	ssyncset.done $0x0  }
0xa0: {  	[sflag:s10] =	ssyncadd.s32 $0xFFFF0000  }
0xa1: {  	[tilespmem:s22], [sflag:$0x9] =	stream.linear.gather [hbm4b:s7+s22], $0x200, $0x38;
	[tilespmem:$0x10200] =	vst v63  }
0xa2: {  	_ =	swait.ge [sflag:s10], $0x200  }
0xa3: {  	[sflag:s10] =	ssyncset.done $0x0  }
0xa4: {  	[sflag:s10] =	ssyncadd.s32 $0xFFFFFE00  }
0xa5: {  	v0 =	vld.msk [tilespmem:s21+$0xFFFFFFFC], $0x1;
	_ =	sdelay $0x4  }
0xa6: {  	(v2sf) =	vpush v0, $0x0;
	_ =	sdelay $0xe  }
0xa7: {  	s23 =	spop (v2sf)  }
0xa8: {  	s22 =	sshll.u32 s23, $0x4  }
0xa9: {  	s22 =	sand.u32 $0x1FFFFFF0, s22  }
0xaa: {  	s24 =	simm.s32 $0x200;
	s22 =	sadd.s32 s4, s22  }
0xab: {  	[tilespmem:s24], [sflag:$0x1] =	stream.linear.gather [hbm4b:s22+s2], $0x80, $0x38;
	[tilespmem:$0x10200] =	vst v63  }
0xac: {  	v57 =	vld.msk [tilespmem:s21+$0xFFFFFFFD], $0x1;
	_ =	sdelay $0x4  }
0xad: {  	(v2sf) =	vpush v57, $0x0;
	_ =	sdelay $0xe  }
0xae: {  	s25 =	spop (v2sf)  }
0xaf: {  	s22 =	sshll.u32 s25, $0x4  }
0xb0: {  	s22 =	sand.u32 $0x1FFFFFF0, s22  }
0xb1: {  	s26 =	simm.s32 $0x280;
	s22 =	sadd.s32 s4, s22  }
0xb2: {  	[tilespmem:s26], [sflag:$0x2] =	stream.linear.gather [hbm4b:s22+s2], $0x80, $0x38;
	[tilespmem:$0x10200] =	vst v63  }
0xb3: {  	v58 =	vld.msk [tilespmem:s21+$0xFFFFFFFE], $0x1;
	_ =	sdelay $0x4  }
0xb4: {  	(v2sf) =	vpush v58, $0x0;
	_ =	sdelay $0xe  }
0xb5: {  	s28 =	spop (v2sf)  }
0xb6: {  	s22 =	sshll.u32 s28, $0x4  }
0xb7: {  	s22 =	sand.u32 $0x1FFFFFF0, s22  }
0xb8: {  	s29 =	simm.s32 $0x300;
	s22 =	sadd.s32 s4, s22  }
0xb9: {  	[tilespmem:s29], [sflag:$0x3] =	stream.linear.gather [hbm4b:s22+s2], $0x80, $0x38;
	[tilespmem:$0x10200] =	vst v63  }
0xba: {  	v59 =	vld.msk [tilespmem:s21+$0xFFFFFFFF], $0x1;
	_ =	sdelay $0x4  }
0xbb: {  	(v2sf) =	vpush v59, $0x0;
	_ =	sdelay $0xe  }
0xbc: {  	s30 =	spop (v2sf)  }
0xbd: {  	s22 =	sshll.u32 s30, $0x4  }
0xbe: {  	s22 =	sand.u32 $0x1FFFFFF0, s22  }
0xbf: {  	s31 =	simm.s32 $0x380;
	s22 =	sadd.s32 s4, s22  }
0xc0: {  	[tilespmem:s31], [sflag:$0x4] =	stream.linear.gather [hbm4b:s22+s2], $0x80, $0x38;
	[tilespmem:$0x10200] =	vst v63  }
0xc1: {  	v60 =	vld.msk [tilespmem:s21+$0x0], $0x1;
	_ =	sdelay $0x4  }
0xc2: {  	(v2sf) =	vpush v60, $0x0;
	_ =	sdelay $0xe  }
0xc3: {  	s23 =	spop (v2sf)  }
0xc4: {  	s22 =	sshll.u32 s23, $0x4  }
0xc5: {  	s22 =	sand.u32 $0x1FFFFFF0, s22  }
0xc6: {  	s24 =	simm.s32 $0x400;
	s22 =	sadd.s32 s4, s22  }
0xc7: {  	[tilespmem:s24], [sflag:$0x5] =	stream.linear.gather [hbm4b:s22+s2], $0x80, $0x38;
	[tilespmem:$0x10200] =	vst v63  }
0xc8: {  	v61 =	vld.msk [tilespmem:s21+$0x1], $0x1;
	_ =	sdelay $0x4  }
0xc9: {  	(v2sf) =	vpush v61, $0x0;
	_ =	sdelay $0xe  }
0xca: {  	s25 =	spop (v2sf)  }
0xcb: {  	s22 =	sshll.u32 s25, $0x4  }
0xcc: {  	s22 =	sand.u32 $0x1FFFFFF0, s22  }
0xcd: {  	s26 =	simm.s32 $0x480;
	s22 =	sadd.s32 s4, s22  }
0xce: {  	[tilespmem:s26], [sflag:$0x6] =	stream.linear.gather [hbm4b:s22+s2], $0x80, $0x38;
	[tilespmem:$0x10200] =	vst v63  }
0xcf: {  	v62 =	vld.msk [tilespmem:s21+$0x2], $0x1;
	_ =	sdelay $0x4  }
0xd0: {  	(v2sf) =	vpush v62, $0x0;
	_ =	sdelay $0xe  }
0xd1: {  	s28 =	spop (v2sf)  }
0xd2: {  	s22 =	sshll.u32 s28, $0x4  }
0xd3: {  	s22 =	sand.u32 $0x1FFFFFF0, s22  }
0xd4: {  	s29 =	simm.s32 $0x500;
	s22 =	sadd.s32 s4, s22  }
0xd5: {  	[tilespmem:s29], [sflag:$0x7] =	stream.linear.gather [hbm4b:s22+s2], $0x80, $0x38;
	[tilespmem:$0x10200] =	vst v63  }
0xd6: {  	v63 =	vld.msk [tilespmem:s21+$0x3], $0x1;
	_ =	sdelay $0x4  }
0xd7: {  	(v2sf) =	vpush v63, $0x0;
	_ =	sdelay $0xe  }
0xd8: {  	s30 =	spop (v2sf)  }
0xd9: {  	s31 =	sshll.u32 s30, $0x4  }
0xda: {  	s23 =	simm.s32 $0x580;
	s22 =	sand.u32 $0x1FFFFFF0, s31  }
0xdb: {  	s21 =	simm.s32 $0x1000;
	s24 =	sadd.s32 s4, s22;
	s22 =	simm.s32 $0xC  }
.LBB2_4:
0xdc: {  	[tilespmem:s23], [sflag:$0x8] =	stream.linear.gather [hbm4b:s24+s2], $0x80, $0x38;
	[tilespmem:$0x10200] =	vst v63  }
0xdd: {  	p0 =	sne.s32 s21, $0x3F000;
	s23 =	smov.u32 s21;
	s21 =	sadd.s32 $0x1000, s21;
	v0 =	vld.msk [tilespmem:s22+$0xFFFFFFFC], $0x1  }
0xde: {  	_ =	sdelay $0x3  }
0xdf: {  	(v2sf) =	vpush v0, $0x0;
	_ =	sdelay $0xe  }
0xe0: {  	s24 =	spop (v2sf)  }
0xe1: {  	s24 =	sshll.u32 s24, $0x4  }
0xe2: {  	s23 =	sshra.s32 s23, $0x2;
	s24 =	sand.u32 $0x1FFFFFF0, s24  }
0xe3: {  	s25 =	sadd.s32 $0x200, s23;
	s24 =	sadd.s32 s4, s24  }
0xe4: {  	[tilespmem:s25], [sflag:$0x1] =	stream.linear.gather [hbm4b:s24+s2], $0x80, $0x38;
	[tilespmem:$0x10200] =	vst v63  }
0xe5: {  	v0 =	vld.msk [tilespmem:s22+$0xFFFFFFFD], $0x1;
	_ =	sdelay $0x4  }
0xe6: {  	(v2sf) =	vpush v0, $0x0;
	_ =	sdelay $0xe  }
0xe7: {  	s24 =	spop (v2sf)  }
0xe8: {  	s24 =	sshll.u32 s24, $0x4  }
0xe9: {  	s24 =	sand.u32 $0x1FFFFFF0, s24  }
0xea: {  	s25 =	sadd.s32 $0x280, s23;
	s24 =	sadd.s32 s4, s24  }
0xeb: {  	[tilespmem:s25], [sflag:$0x2] =	stream.linear.gather [hbm4b:s24+s2], $0x80, $0x38;
	[tilespmem:$0x10200] =	vst v63  }
0xec: {  	v0 =	vld.msk [tilespmem:s22+$0xFFFFFFFE], $0x1;
	_ =	sdelay $0x4  }
0xed: {  	(v2sf) =	vpush v0, $0x0;
	_ =	sdelay $0xe  }
0xee: {  	s24 =	spop (v2sf)  }
0xef: {  	s24 =	sshll.u32 s24, $0x4  }
0xf0: {  	s24 =	sand.u32 $0x1FFFFFF0, s24  }
0xf1: {  	s25 =	sadd.s32 $0x300, s23;
	s24 =	sadd.s32 s4, s24  }
0xf2: {  	[tilespmem:s25], [sflag:$0x3] =	stream.linear.gather [hbm4b:s24+s2], $0x80, $0x38;
	[tilespmem:$0x10200] =	vst v63  }
0xf3: {  	v0 =	vld.msk [tilespmem:s22+$0xFFFFFFFF], $0x1;
	_ =	sdelay $0x4  }
0xf4: {  	(v2sf) =	vpush v0, $0x0;
	_ =	sdelay $0xe  }
0xf5: {  	s24 =	spop (v2sf)  }
0xf6: {  	s24 =	sshll.u32 s24, $0x4  }
0xf7: {  	s24 =	sand.u32 $0x1FFFFFF0, s24  }
0xf8: {  	s25 =	sadd.s32 $0x380, s23;
	s24 =	sadd.s32 s4, s24  }
0xf9: {  	[tilespmem:s25], [sflag:$0x4] =	stream.linear.gather [hbm4b:s24+s2], $0x80, $0x38;
	[tilespmem:$0x10200] =	vst v63  }
0xfa: {  	v0 =	vld.msk [tilespmem:s22+$0x0], $0x1;
	_ =	sdelay $0x4  }
0xfb: {  	(v2sf) =	vpush v0, $0x0;
	_ =	sdelay $0xe  }
0xfc: {  	s24 =	spop (v2sf)  }
0xfd: {  	s24 =	sshll.u32 s24, $0x4  }
0xfe: {  	s24 =	sand.u32 $0x1FFFFFF0, s24  }
0xff: {  	s25 =	sadd.s32 $0x400, s23;
	s24 =	sadd.s32 s4, s24  }
0x100: {  	[tilespmem:s25], [sflag:$0x5] =	stream.linear.gather [hbm4b:s24+s2], $0x80, $0x38;
	[tilespmem:$0x10200] =	vst v63  }
0x101: {  	v0 =	vld.msk [tilespmem:s22+$0x1], $0x1;
	_ =	sdelay $0x4  }
0x102: {  	(v2sf) =	vpush v0, $0x0;
	_ =	sdelay $0xe  }
0x103: {  	s24 =	spop (v2sf)  }
0x104: {  	s24 =	sshll.u32 s24, $0x4  }
0x105: {  	s24 =	sand.u32 $0x1FFFFFF0, s24  }
0x106: {  	s25 =	sadd.s32 $0x480, s23;
	s24 =	sadd.s32 s4, s24  }
0x107: {  	[tilespmem:s25], [sflag:$0x6] =	stream.linear.gather [hbm4b:s24+s2], $0x80, $0x38;
	[tilespmem:$0x10200] =	vst v63  }
0x108: {  	v0 =	vld.msk [tilespmem:s22+$0x2], $0x1;
	_ =	sdelay $0x4  }
0x109: {  	(v2sf) =	vpush v0, $0x0;
	_ =	sdelay $0xe  }
0x10a: {  	s24 =	spop (v2sf)  }
0x10b: {  	s24 =	sshll.u32 s24, $0x4  }
0x10c: {  	s24 =	sand.u32 $0x1FFFFFF0, s24  }
0x10d: {  	s25 =	sadd.s32 $0x500, s23;
	s24 =	sadd.s32 s4, s24  }
0x10e: {  	[tilespmem:s25], [sflag:$0x7] =	stream.linear.gather [hbm4b:s24+s2], $0x80, $0x38;
	[tilespmem:$0x10200] =	vst v63  }
0x10f: {  	v0 =	vld.msk [tilespmem:s22+$0x3], $0x1;
	_ =	sdelay $0x4  }
0x110: {  	(v2sf) =	vpush v0, $0x0;
	_ =	sdelay $0xd  }
.Ltmp1:
0x111: {  	(pc) =	sbr.rel @p0 .LBB2_4-.Ltmp1, $4  }
0x112: {  	s24 =	spop (v2sf)  }
0x113: {  	s24 =	sshll.u32 s24, $0x4  }
0x114: {  	s24 =	sand.u32 $0x1FFFFFF0, s24  }
0x115: {  	s23 =	sadd.s32 $0x580, s23;
	s22 =	sadd.s32 $0x8, s22;
	s24 =	sadd.s32 s4, s24  }
0x116: {  	[tilespmem:s23], [sflag:$0x8] =	stream.linear.gather [hbm4b:s24+s2], $0x80, $0x38;
	[tilespmem:$0x10200] =	vst v63  }
0x117: {  	_ =	swait.ge [sflag:s11], $0x2000  }
0x118: {  	[sflag:s11] =	ssyncset.done $0x0  }
0x119: {  	[sflag:s11] =	ssyncadd.s32 $0xFFFFE000  }
0x11a: {  	_ =	swait.ge [sflag:s12], $0x2000  }
0x11b: {  	[sflag:s12] =	ssyncset.done $0x0  }
0x11c: {  	[sflag:s12] =	ssyncadd.s32 $0xFFFFE000  }
0x11d: {  	_ =	swait.ge [sflag:s13], $0x2000  }
0x11e: {  	[sflag:s13] =	ssyncset.done $0x0  }
0x11f: {  	[sflag:s13] =	ssyncadd.s32 $0xFFFFE000  }
0x120: {  	_ =	swait.ge [sflag:s19], $0x2000  }
0x121: {  	[sflag:s19] =	ssyncset.done $0x0  }
0x122: {  	[sflag:s19] =	ssyncadd.s32 $0xFFFFE000  }
0x123: {  	_ =	swait.ge [sflag:s14], $0x2000  }
0x124: {  	[sflag:s14] =	ssyncset.done $0x0  }
0x125: {  	[sflag:s14] =	ssyncadd.s32 $0xFFFFE000  }
0x126: {  	_ =	swait.ge [sflag:s15], $0x2000  }
0x127: {  	[sflag:s15] =	ssyncset.done $0x0  }
0x128: {  	[sflag:s15] =	ssyncadd.s32 $0xFFFFE000  }
0x129: {  	_ =	swait.ge [sflag:s16], $0x2000  }
0x12a: {  	[sflag:s16] =	ssyncset.done $0x0  }
0x12b: {  	[sflag:s16] =	ssyncadd.s32 $0xFFFFE000  }
0x12c: {  	s20 =	sadd.s32 $0x1, s20;
	_ =	swait.ge [sflag:s17], $0x2000  }
0x12d: {  	p0 =	sne.s32 s20, s9;
	[sflag:s17] =	ssyncset.done $0x0  }
.Ltmp2:
0x12e: {  	[sflag:s17] =	ssyncadd.s32 $0xFFFFE000;
	(pc) =	sbr.rel @p0 .LBB2_1-.Ltmp2, $4  }
0x12f: {  	[hbm4b:s8+s2] =	stream.linear.scatter [tilespmem:s18], [sflag:$0x9], $0x10000, $0x38;
	[tilespmem:$0x10200] =	vst v63  }
0x130: {  	_ =	swait.ge [sflag:s10], $0x10000  }
0x131: {  	[sflag:s10] =	ssyncset.done $0x0  }
0x132: {  	[sflag:s10] =	ssyncadd.s32 $0xFFFF0000  }
0x133: {  	_ =	sfence.sel $0x180000  }
0x134: {  	[bflag:$0x0] =	sbarrier.arrive $0xFFFF  }
0x135: {  	p0 =	sne.s32 s1, $0x0;
	_ =	strace $0x9000004A  }
0x136: {  	s0 =	sadd.s32 @!p0 $0x100000, s0;
	[bflag:$0x2] =	sbarrier.arrive $0xFFFF  }
0x137: {  	[sflag:s0] =	ssyncadd.tile.s32 @!p0 $0x1;
	_ =	shalt  }
.Lfunc_end2:
_tile_overlayer_lowered:
.L_overlay_start_2:
0x138: {  	(tag) =	ssettag $0x2  }
0x139: {  	s0 =	rddreg [dreg:$0x0];
	s2 =	stileid.u32  }
0x13a: {  	s1 =	rddreg [dreg:$0x1];
	p0 =	sne.s32 s2, $0x0  }
0x13b: {  	s3 =	rddreg [dreg:$0x2];
	[bflag:$0x3] =	sbarrier.arrive $0xFFFF;
	s2 =	simm.s32 @!p0 $0x1C09  }
0x13c: {  	[timem:s3], [sflag:s2] =	dma.local @!p0 [hbm:s0], s1  }
0x13d: {  	s0 =	simm.s32 @!p0 $0x9  }
0x13e: {  	_ =	swait.ge @!p0 [sflag:s0], s1  }
0x13f: {  	s1 =	ssub.s32 @!p0 $0x0, s1;
	[sflag:s0] =	ssyncset.done @!p0 $0x0  }
0x140: {  	[sflag:s0] =	ssyncadd.s32 @!p0 s1  }
0x141: {  	[bflag:$0x3] =	sbarrier.arrive $0xFFFF  }
0x142: {  	_ =	shalt  }

// kernel: kernel.8.cloned.1.call-start
scs
__scs_entry_jumppad:
0x0: {  	(pc) =	sbr.rel $0x88, $3  }
0x1: {  	(tag) =	ssettag $0x0;
	lr =	simm.s32 $0x1  }
0x2: {  	[smem:$0x3F91] =	sst lr;
	_ =	strace $0xD0000000  }
0x3: {  	_ = 	snop  }
0x4: {  	_ = 	snop  }
0x5: {  	_ = 	snop  }
0x6: {  	_ = 	snop  }
0x7: {  	_ = 	snop  }
__scs_overlays_trampoline_lowered:
0x8: {  	[smem:$0x3FA0] =	sst s0  }
0x9: {  	[smem:$0x3FA1] =	sst s1  }
0xa: {  	[smem:$0x3FA2] =	sst s2  }
0xb: {  	[smem:$0x3FA3] =	sst s3  }
0xc: {  	[smem:$0x3FA4] =	sst s4  }
0xd: {  	[smem:$0x3FA5] =	sst s5  }
0xe: {  	[smem:$0x3FA6] =	sst s6  }
0xf: {  	[smem:$0x3FA7] =	sst s7  }
0x10: {  	[smem:$0x3FA8] =	sst s8  }
0x11: {  	[smem:$0x3FA9] =	sst s9;
	s0 =	simm.s32 @!p0 $0x0  }
0x12: {  	s1 =	sld [smem:$0x3F8F];
	s0 =	simm.s32 @p0 $0x1  }
0x13: {  	[smem:$0x3FAA] =	sst s0;
	s0 =	simm.s32 @!p1 $0x0  }
0x14: {  	s2 =	sld [smem:$0x3F8E];
	s0 =	simm.s32 @p1 $0x1  }
0x15: {  	[smem:$0x3FAB] =	sst s0;
	s0 =	simm.s32 @!p2 $0x0  }
0x16: {  	s3 =	sld [smem:$0x3FDB];
	s0 =	simm.s32 @p2 $0x1  }
0x17: {  	s4 =	simm.s32 $0x1BF5;
	[smem:$0x3FAD] =	sst s0  }
0x18: {  	s0 =	sld [smem:$0x3F90];
	_ =	swait.ge [sflag:s4], $0x0  }
0x19: {  	s7 =	sld [smem:$0x3F91]  }
0x1a: {  	s8 =	sadd.s32 $0xFFFFE003, lr  }
0x1b: {  	s9 =	sadd.s32 $0xFFFFFEF7, lr;
	s5 =	simm.s32 $0xFFFFFFFF;
	p2 =	slt.u32 s8, $0xFFFFF086  }
0x1c: {  	p1 =	slt.u32 s9, $0xF7A;
	s5 =	simm.s32 @!p2 $0x0  }
0x1d: {  	s5 =	simm.s32 @p1 $0x1;
	p0 =	seq.s32 s7, s2  }
0x1e: {  	s7 =	smul.u32 @!p0 $0xF7A, s2;
	p2 =	seq.s32 @!p0 s5, $0x0  }
0x1f: {  	s9 =	smul.u32 $0xF7A, s1;
	s8 =	simm.s32 @!p0 $0x1BF5;
	p2 =	por !p2, p0  }
0x20: {  	[sflag:s8] =	ssyncset.s32 @!p0 $0xFFFFF086;
	s6 =	sadd.s32 @!p0 s3, s7;
	s7 =	simm.s32 @!p0 $0x108  }
0x21: {  	s3 =	sadd.s32 s3, s9;
	s6 =	sadd.s32 @!p0 $0x88, s6;
	s7 =	simm.s32 @p2 $0x1082  }
0x22: {  	[simem:s7], [sflag:s8] =	dma.local @!p0 [hbm:s6], $0xF7A  }
0x23: {  	s9 =	sor.u32 $0xD0000000, s2;
	s6 =	simm.s32 $0x108;
	_ =	swait.ge @!p0 [sflag:s8], $0x0  }
0x24: {  	s3 =	sadd.s32 $0x88, s3;
	s6 =	simm.s32 @!p1 $0x1082;
	[sflag:s4] =	ssyncset.s32 $0xFFFFF086  }
0x25: {  	[simem:s6], [sflag:s4] =	dma.local [hbm:s3], $0xF7A  }
0x26: {  	[smem:$0x3F91] =	sst s1;
	(tag) =	ssettag s2;
	_ =	strace s9  }
0x27: {  	s1 =	sld [smem:$0x3FA1]  }
0x28: {  	s2 =	sld [smem:$0x3FA2]  }
0x29: {  	s4 =	sld [smem:$0x3FA4]  }
0x2a: {  	p0 =	seq.s32 s5, $0x0;
	s5 =	sld [smem:$0x3FA5]  }
0x2b: {  	s6 =	sld [smem:$0x3FA6]  }
0x2c: {  	s7 =	sld [smem:$0x3FA7]  }
0x2d: {  	s3 =	simm.s32 $0x108;
	s8 =	sld [smem:$0x3FA8]  }
0x2e: {  	s3 =	simm.s32 @!p0 $0x1082;
	s9 =	sld [smem:$0x3FA9]  }
0x2f: {  	lr =	sadd.s32 s0, s3;
	s0 =	sld [smem:$0x3FA0]  }
0x30: {  	s3 =	sld [smem:$0x3FA3]  }
0x31: {  	[smem:$0x3FAC] =	sst s10  }
0x32: {  	s10 =	sld [smem:$0x3FAA];
	_ =	sdelay $0x3  }
0x33: {  	p0 =	seq.s32 s10, $0x1;
	s10 =	sld [smem:$0x3FAC];
	_ =	sdelay $0x3  }
0x34: {  	[smem:$0x3FAC] =	sst s10  }
0x35: {  	s10 =	sld [smem:$0x3FAB];
	_ =	sdelay $0x3  }
0x36: {  	p1 =	seq.s32 s10, $0x1;
	s10 =	sld [smem:$0x3FAC];
	_ =	sdelay $0x3  }
0x37: {  	[smem:$0x3FAC] =	sst s10  }
0x38: {  	s10 =	sld [smem:$0x3FAD]  }
0x39: {  	_ = 	snop;
	(pc) =	sbr.ind lr, $3  }
0x3a: {  	_ = 	snop  }
0x3b: {  	_ = 	snop  }
0x3c: {  	p2 =	seq.s32 s10, $0x1;
	s10 =	sld [smem:$0x3FAC]  }
0x3d: {  	_ =	shalt  }
0x3e: {  	_ =	shalt  }
0x3f: {  	_ =	shalt  }
0x40: {  	_ =	shalt  }
0x41: {  	_ =	shalt  }
0x42: {  	_ =	shalt  }
0x43: {  	_ =	shalt  }
0x44: {  	_ =	shalt  }
0x45: {  	_ =	shalt  }
0x46: {  	_ =	shalt  }
0x47: {  	_ =	shalt  }
0x48: {  	_ =	shalt  }
0x49: {  	_ =	shalt  }
0x4a: {  	_ =	shalt  }
0x4b: {  	_ =	shalt  }
0x4c: {  	_ =	shalt  }
0x4d: {  	_ =	shalt  }
0x4e: {  	_ =	shalt  }
0x4f: {  	_ =	shalt  }
0x50: {  	_ =	shalt  }
0x51: {  	_ =	shalt  }
0x52: {  	_ =	shalt  }
0x53: {  	_ =	shalt  }
0x54: {  	_ =	shalt  }
0x55: {  	_ =	shalt  }
0x56: {  	_ =	shalt  }
0x57: {  	_ =	shalt  }
0x58: {  	_ =	shalt  }
0x59: {  	_ =	shalt  }
0x5a: {  	_ =	shalt  }
0x5b: {  	_ =	shalt  }
0x5c: {  	_ =	shalt  }
0x5d: {  	_ =	shalt  }
0x5e: {  	_ =	shalt  }
0x5f: {  	_ =	shalt  }
0x60: {  	_ =	shalt  }
0x61: {  	_ =	shalt  }
0x62: {  	_ =	shalt  }
0x63: {  	_ =	shalt  }
0x64: {  	_ =	shalt  }
0x65: {  	_ =	shalt  }
0x66: {  	_ =	shalt  }
0x67: {  	_ =	shalt  }
0x68: {  	_ =	shalt  }
0x69: {  	_ =	shalt  }
0x6a: {  	_ =	shalt  }
0x6b: {  	_ =	shalt  }
0x6c: {  	_ =	shalt  }
0x6d: {  	_ =	shalt  }
0x6e: {  	_ =	shalt  }
0x6f: {  	_ =	shalt  }
0x70: {  	_ =	shalt  }
0x71: {  	_ =	shalt  }
0x72: {  	_ =	shalt  }
0x73: {  	_ =	shalt  }
0x74: {  	_ =	shalt  }
0x75: {  	_ =	shalt  }
0x76: {  	_ =	shalt  }
0x77: {  	_ =	shalt  }
0x78: {  	_ =	shalt  }
0x79: {  	_ =	shalt  }
0x7a: {  	_ =	shalt  }
0x7b: {  	_ =	shalt  }
0x7c: {  	_ =	shalt  }
0x7d: {  	_ =	shalt  }
0x7e: {  	_ =	shalt  }
0x7f: {  	_ =	shalt  }
0x80: {  	_ =	shalt  }
0x81: {  	_ =	shalt  }
0x82: {  	_ =	shalt  }
0x83: {  	_ =	shalt  }
0x84: {  	_ =	shalt  }
0x85: {  	_ =	shalt  }
0x86: {  	_ =	shalt  }
0x87: {  	_ =	shalt  }
.Lfunc_end0:
.L_simem_size_0:
called_computation.1_lowered:
.L_overlay_start_0:
0x88: {  	s2 =	sld [smem:$0x3FD9]  }
0x89: {  	s3 =	sld [smem:$0x3FFE];
	_ =	sdelay $0x1  }
0x8a: {  	s1 =	srdreg.scid  }
0x8b: {  	s0 =	sand.u32 $0x1, s1  }
0x8c: {  	s16 =	sshll.u32 s0, $0xA;
	s2 =	sadd.s32 s3, s2  }
0x8d: {  	s2 =	sadd.s32 s2, s16  }
0x8e: {  	[smem:$0x3FB8] =	sst s2  }
0x8f: {  	_ = 	snop  }
0x90: {  	(tm) =	ssettm $0x1  }
0x91: {  	s17 =	sld [smem:$0x3FFB];
	_ =	sdelay $0x3  }
0x92: {  	_ =	strace s17  }
0x93: {  	s2 =	sld [smem:$0x3FFC];
	_ =	sdelay $0x3  }
0x94: {  	_ =	strace s2  }
0x95: {  	s2 =	sld [smem:$0x3FFD];
	_ =	sdelay $0x3  }
0x96: {  	_ =	strace s2  }
0x97: {  	_ =	strace $0x8FFFFFFF  }
0x98: {  	s18 =	sld [smem:$0x3FDB];
	_ =	sdelay $0x1  }
0x99: {  	s19 =	simm.s32 $_scs_section_size  }
0x9a: {  	s4 =	simm.s32 $_size__tile_overlayer_lowered;
	s5 =	simm.s32 $_tile_overlayer_lowered  }
0x9b: {  	s22 =	simm.s32 $0x1BFF;
	s21 =	sshll.u32 s5, $0x1;
	s2 =	sadd.s32 s19, s18  }
0x9c: {  	s6 =	simm.s32 $0x0;
	s20 =	sshll.u32 s4, $0x1;
	s4 =	sadd.s32 s21, s2  }
0x9d: {  	[timem:s6], [sflag:s22] =	dma.local [hbm:s4], s20  }
0x9e: {  	_ =	swait.ge [sflag:s22], s20  }
0x9f: {  	s3 =	ssub.s32 $0x0, s20;
	[sflag:s22] =	ssyncset.done $0x0  }
0xa0: {  	[sflag:s22] =	ssyncadd.s32 s3;
	_ =	sdelay $0x1  }
0xa1: {  	s23 =	simm.s32 $0x1B8B  }
0xa2: {  	_ =	swait.ge [sflag:s23], $0x1  }
0xa3: {  	[sflag:s23] =	ssyncset.done $0x0  }
0xa4: {  	s25 =	simm.s32 $0x1B8E;
	s24 =	sld [smem:$0x3FFE];
	[sflag:s23] =	ssyncadd.s32 $0xFFFFFFFF  }
0xa5: {  	s26 =	simm.s32 $execute0_lowered;
	[smem:$0x3FD2] =	sst s25  }
0xa6: {  	s4 =	sshll.u32 s26, $0x1;
	_ =	strace $0x80000046;
	[dreg:$0x1] =	wrdreg $0xFFFFFFFF  }
0xa7: {  	s28 =	simm.s32 $_size_execute0_lowered;
	s2 =	sadd.s32 s2, s4;
	[dreg:$0x0] =	wrdreg $0x0  }
0xa8: {  	s4 =	sshll.u32 s28, $0x1;
	[dreg:$0x2] =	wrdreg s2  }
0xa9: {  	[dreg:$0x3] =	wrdreg s4  }
0xaa: {  	[dreg:$0x4] =	wrdreg $0xC0  }
0xab: {  	_ =	task [dreg:s6], $0x5FFFF  }
0xac: {  	[dreg:$0x1] =	wrdreg $0xFFFFFFFF  }
0xad: {  	[dreg:$0x0] =	wrdreg $0x60  }
0xae: {  	[dreg:$0x2] =	wrdreg s24  }
0xaf: {  	[dreg:$0x3] =	wrdreg $0xA  }
0xb0: {  	_ =	task.clear_ibuf [dreg:s6], $0x4FFFF;
	_ =	strace $0x90000046  }
0xb1: {  	s29 =	simm.s32 $0xA;
	_ =	strace $0x80000048  }
0xb2: {  	_ =	swait.ge [sflag:s29], $0x1  }
0xb3: {  	[sflag:s29] =	ssyncadd.s32 $0xFFFFFFFF  }
0xb4: {  	_ =	strace $0x90000048  }
0xb5: {  	_ =	sfence  }
0xb6: {  	s30 =	sld [smem:$0x0];
	_ =	sdelay $0x2  }
0xb7: {  	s31 =	sshll.u32 s1, $0xD;
	s1 =	sshrl.u32 s1, $0x2  }
0xb8: {  	s3 =	sand.u32 $0x4000, s31;
	s1 =	sadd.s32 s1, s30  }
0xb9: {  	s0 =	sor.u32 s3, s0;
	s1 =	sshll.u32 s1, $0x11  }
0xba: {  	s0 =	sor.u32 s1, s0  }
0xbb: {  	s0 =	sadd.s32 $0x8F2B, s0  }
0xbc: {  	[sflag:s0] =	ssyncadd.remote.s32 $0x1  }
0xbd: {  	_ =	sfence.sel $0xFFFF  }
0xbe: {  	[dreg:$0x0] =	wrdreg $0xFFFFFFFF;
	(pc) =	sbr.abs _section_cstart, $3  }
0xbf: {  	[dreg:$0x1] =	wrdreg $0xFFFFFFFF  }
0xc0: {  	_ =	task.clear_ibuf [dreg:s6], $0x2FFFF;
	_ =	strace $0x9FFFFFFF  }
0xc1: {  	(tm) =	ssettm $0x7FFFFFFF  }
tec
execute0_lowered:
.L_overlay_start_1:
0x0: {  	(tag) =	ssettag $0x1  }
0x1: {  	s4 =	rddreg [dreg:$0x0]  }
0x2: {  	s2 =	srdreg.scid;
	s0 =	rddreg [dreg:$0x1]  }
0x3: {  	s1 =	stileid.u32;
	s8 =	simm.s32 $0x1;
	s9 =	simm.s32 $0x2  }
0x4: {  	s10 =	simm.s32 $0x3;
	s11 =	simm.s32 $0x4;
	s12 =	simm.s32 $0x5  }
0x5: {  	s13 =	simm.s32 $0x6;
	s14 =	simm.s32 $0x7;
	s15 =	simm.s32 $0x8  }
0x6: {  	s16 =	simm.s32 $0x200;
	s17 =	simm.s32 $0x0;
	s3 =	sand.u32 $0x1, s2  }
0x7: {  	s2 =	simm.s32 $0x0;
	s5 =	sshll.u32 s1, $0xA;
	s6 =	sshll.u32 s3, $0x9  }
0x8: {  	[smem:$0x7FF] =	sst s2;
	s7 =	ssub.s32 $0x2, s3;
	s5 =	sor.u32 s6, s5  }
0x9: {  	s3 =	sadd.s32 $0x3C00, s4;
	_ =	strace $0x80000047;
	s6 =	sshrl.u32 s5, $0x3  }
0xa: {  	s31 =	sshrl.u32 s7, $0x1;
	s5 =	sshll.u32 s5, $0x4;
	s6 =	sadd.s32 s6, s4  }
0xb: {  	s7 =	ssub.s32 s7, s31;
	s5 =	sadd.s32 s5, s4;
	s4 =	sadd.s32 $0x2C00, s6  }
0xc: {  	s5 =	sadd.s32 $0xF46000, s5;
	s6 =	smax.u32 s7, $0x1;
	s7 =	simm.s32 $0x9  }
.LBB2_1:
0xd: {  	[tilespmem:s2], [sflag:$0x9] =	stream.linear.gather [hbm4b:s4+s2], $0x200, $0x38;
	[tilespmem:$0x10200] =	vst v63  }
0xe: {  	_ =	swait.ge [sflag:s7], $0x200  }
0xf: {  	[sflag:s7] =	ssyncset.done $0x0  }
0x10: {  	[sflag:s7] =	ssyncadd.s32 $0xFFFFFE00  }
0x11: {  	v0 =	vld.msk [tilespmem:s11+$0xFFFFFFFC], $0x1;
	_ =	sdelay $0x4  }
0x12: {  	(v2sf) =	vpush v0, $0x0;
	_ =	sdelay $0xe  }
0x13: {  	s18 =	spop (v2sf)  }
0x14: {  	s18 =	sshll.u32 s18, $0x4  }
0x15: {  	s18 =	sand.u32 $0x1FFFFFF0, s18  }
0x16: {  	s19 =	simm.s32 $0x200;
	s18 =	sadd.s32 s3, s18  }
0x17: {  	[tilespmem:s19], [sflag:$0x1] =	stream.linear.gather [hbm4b:s18+s2], $0x80, $0x38;
	[tilespmem:$0x10200] =	vst v63  }
0x18: {  	v57 =	vld.msk [tilespmem:s11+$0xFFFFFFFD], $0x1;
	_ =	sdelay $0x4  }
0x19: {  	(v2sf) =	vpush v57, $0x0;
	_ =	sdelay $0xe  }
0x1a: {  	s30 =	spop (v2sf)  }
0x1b: {  	s18 =	sshll.u32 s30, $0x4  }
0x1c: {  	s18 =	sand.u32 $0x1FFFFFF0, s18  }
0x1d: {  	s31 =	simm.s32 $0x280;
	s18 =	sadd.s32 s3, s18  }
0x1e: {  	[tilespmem:s31], [sflag:$0x2] =	stream.linear.gather [hbm4b:s18+s2], $0x80, $0x38;
	[tilespmem:$0x10200] =	vst v63  }
0x1f: {  	v58 =	vld.msk [tilespmem:s11+$0xFFFFFFFE], $0x1;
	_ =	sdelay $0x4  }
0x20: {  	(v2sf) =	vpush v58, $0x0;
	_ =	sdelay $0xe  }
0x21: {  	s19 =	spop (v2sf)  }
0x22: {  	s18 =	sshll.u32 s19, $0x4  }
0x23: {  	s18 =	sand.u32 $0x1FFFFFF0, s18  }
0x24: {  	s20 =	simm.s32 $0x300;
	s18 =	sadd.s32 s3, s18  }
0x25: {  	[tilespmem:s20], [sflag:$0x3] =	stream.linear.gather [hbm4b:s18+s2], $0x80, $0x38;
	[tilespmem:$0x10200] =	vst v63  }
0x26: {  	v59 =	vld.msk [tilespmem:s11+$0xFFFFFFFF], $0x1;
	_ =	sdelay $0x4  }
0x27: {  	(v2sf) =	vpush v59, $0x0;
	_ =	sdelay $0xe  }
0x28: {  	s21 =	spop (v2sf)  }
0x29: {  	s18 =	sshll.u32 s21, $0x4  }
0x2a: {  	s18 =	sand.u32 $0x1FFFFFF0, s18  }
0x2b: {  	s22 =	simm.s32 $0x380;
	s18 =	sadd.s32 s3, s18  }
0x2c: {  	[tilespmem:s22], [sflag:$0x4] =	stream.linear.gather [hbm4b:s18+s2], $0x80, $0x38;
	[tilespmem:$0x10200] =	vst v63  }
0x2d: {  	v60 =	vld.msk [tilespmem:s11+$0x0], $0x1;
	_ =	sdelay $0x4  }
0x2e: {  	(v2sf) =	vpush v60, $0x0;
	_ =	sdelay $0xe  }
0x2f: {  	s23 =	spop (v2sf)  }
0x30: {  	s18 =	sshll.u32 s23, $0x4  }
0x31: {  	s18 =	sand.u32 $0x1FFFFFF0, s18  }
0x32: {  	s24 =	simm.s32 $0x400;
	s18 =	sadd.s32 s3, s18  }
0x33: {  	[tilespmem:s24], [sflag:$0x5] =	stream.linear.gather [hbm4b:s18+s2], $0x80, $0x38;
	[tilespmem:$0x10200] =	vst v63  }
0x34: {  	v61 =	vld.msk [tilespmem:s11+$0x1], $0x1;
	_ =	sdelay $0x4  }
0x35: {  	(v2sf) =	vpush v61, $0x0;
	_ =	sdelay $0xe  }
0x36: {  	s25 =	spop (v2sf)  }
0x37: {  	s18 =	sshll.u32 s25, $0x4  }
0x38: {  	s18 =	sand.u32 $0x1FFFFFF0, s18  }
0x39: {  	s26 =	simm.s32 $0x480;
	s18 =	sadd.s32 s3, s18  }
0x3a: {  	[tilespmem:s26], [sflag:$0x6] =	stream.linear.gather [hbm4b:s18+s2], $0x80, $0x38;
	[tilespmem:$0x10200] =	vst v63  }
0x3b: {  	v62 =	vld.msk [tilespmem:s11+$0x2], $0x1;
	_ =	sdelay $0x4  }
0x3c: {  	(v2sf) =	vpush v62, $0x0;
	_ =	sdelay $0xe  }
0x3d: {  	s28 =	spop (v2sf)  }
0x3e: {  	s18 =	sshll.u32 s28, $0x4  }
0x3f: {  	s18 =	sand.u32 $0x1FFFFFF0, s18  }
0x40: {  	s29 =	simm.s32 $0x500;
	s18 =	sadd.s32 s3, s18  }
0x41: {  	[tilespmem:s29], [sflag:$0x7] =	stream.linear.gather [hbm4b:s18+s2], $0x80, $0x38;
	[tilespmem:$0x10200] =	vst v63  }
0x42: {  	v63 =	vld.msk [tilespmem:s11+$0x3], $0x1;
	_ =	sdelay $0x4  }
0x43: {  	(v2sf) =	vpush v63, $0x0;
	_ =	sdelay $0xe  }
0x44: {  	s30 =	spop (v2sf)  }
0x45: {  	s31 =	sshll.u32 s30, $0x4  }
0x46: {  	s20 =	simm.s32 $0x580;
	s19 =	sand.u32 $0x1FFFFFF0, s31  }
0x47: {  	s18 =	simm.s32 $0x1000;
	s21 =	sadd.s32 s3, s19;
	s19 =	simm.s32 $0xC  }
.LBB2_2:
0x48: {  	[tilespmem:s20], [sflag:$0x8] =	stream.linear.gather [hbm4b:s21+s2], $0x80, $0x38;
	[tilespmem:$0x10200] =	vst v63  }
0x49: {  	p0 =	sne.s32 s18, $0x3F000;
	s20 =	smov.u32 s18;
	s18 =	sadd.s32 $0x1000, s18;
	v0 =	vld.msk [tilespmem:s19+$0xFFFFFFFC], $0x1  }
0x4a: {  	_ =	sdelay $0x3  }
0x4b: {  	(v2sf) =	vpush v0, $0x0;
	_ =	sdelay $0xe  }
0x4c: {  	s21 =	spop (v2sf)  }
0x4d: {  	s21 =	sshll.u32 s21, $0x4  }
0x4e: {  	s20 =	sshra.s32 s20, $0x2;
	s21 =	sand.u32 $0x1FFFFFF0, s21  }
0x4f: {  	s22 =	sadd.s32 $0x200, s20;
	s21 =	sadd.s32 s3, s21  }
0x50: {  	[tilespmem:s22], [sflag:$0x1] =	stream.linear.gather [hbm4b:s21+s2], $0x80, $0x38;
	[tilespmem:$0x10200] =	vst v63  }
0x51: {  	v0 =	vld.msk [tilespmem:s19+$0xFFFFFFFD], $0x1;
	_ =	sdelay $0x4  }
0x52: {  	(v2sf) =	vpush v0, $0x0;
	_ =	sdelay $0xe  }
0x53: {  	s21 =	spop (v2sf)  }
0x54: {  	s21 =	sshll.u32 s21, $0x4  }
0x55: {  	s21 =	sand.u32 $0x1FFFFFF0, s21  }
0x56: {  	s22 =	sadd.s32 $0x280, s20;
	s21 =	sadd.s32 s3, s21  }
0x57: {  	[tilespmem:s22], [sflag:$0x2] =	stream.linear.gather [hbm4b:s21+s2], $0x80, $0x38;
	[tilespmem:$0x10200] =	vst v63  }
0x58: {  	v0 =	vld.msk [tilespmem:s19+$0xFFFFFFFE], $0x1;
	_ =	sdelay $0x4  }
0x59: {  	(v2sf) =	vpush v0, $0x0;
	_ =	sdelay $0xe  }
0x5a: {  	s21 =	spop (v2sf)  }
0x5b: {  	s21 =	sshll.u32 s21, $0x4  }
0x5c: {  	s21 =	sand.u32 $0x1FFFFFF0, s21  }
0x5d: {  	s22 =	sadd.s32 $0x300, s20;
	s21 =	sadd.s32 s3, s21  }
0x5e: {  	[tilespmem:s22], [sflag:$0x3] =	stream.linear.gather [hbm4b:s21+s2], $0x80, $0x38;
	[tilespmem:$0x10200] =	vst v63  }
0x5f: {  	v0 =	vld.msk [tilespmem:s19+$0xFFFFFFFF], $0x1;
	_ =	sdelay $0x4  }
0x60: {  	(v2sf) =	vpush v0, $0x0;
	_ =	sdelay $0xe  }
0x61: {  	s21 =	spop (v2sf)  }
0x62: {  	s21 =	sshll.u32 s21, $0x4  }
0x63: {  	s21 =	sand.u32 $0x1FFFFFF0, s21  }
0x64: {  	s22 =	sadd.s32 $0x380, s20;
	s21 =	sadd.s32 s3, s21  }
0x65: {  	[tilespmem:s22], [sflag:$0x4] =	stream.linear.gather [hbm4b:s21+s2], $0x80, $0x38;
	[tilespmem:$0x10200] =	vst v63  }
0x66: {  	v0 =	vld.msk [tilespmem:s19+$0x0], $0x1;
	_ =	sdelay $0x4  }
0x67: {  	(v2sf) =	vpush v0, $0x0;
	_ =	sdelay $0xe  }
0x68: {  	s21 =	spop (v2sf)  }
0x69: {  	s21 =	sshll.u32 s21, $0x4  }
0x6a: {  	s21 =	sand.u32 $0x1FFFFFF0, s21  }
0x6b: {  	s22 =	sadd.s32 $0x400, s20;
	s21 =	sadd.s32 s3, s21  }
0x6c: {  	[tilespmem:s22], [sflag:$0x5] =	stream.linear.gather [hbm4b:s21+s2], $0x80, $0x38;
	[tilespmem:$0x10200] =	vst v63  }
0x6d: {  	v0 =	vld.msk [tilespmem:s19+$0x1], $0x1;
	_ =	sdelay $0x4  }
0x6e: {  	(v2sf) =	vpush v0, $0x0;
	_ =	sdelay $0xe  }
0x6f: {  	s21 =	spop (v2sf)  }
0x70: {  	s21 =	sshll.u32 s21, $0x4  }
0x71: {  	s21 =	sand.u32 $0x1FFFFFF0, s21  }
0x72: {  	s22 =	sadd.s32 $0x480, s20;
	s21 =	sadd.s32 s3, s21  }
0x73: {  	[tilespmem:s22], [sflag:$0x6] =	stream.linear.gather [hbm4b:s21+s2], $0x80, $0x38;
	[tilespmem:$0x10200] =	vst v63  }
0x74: {  	v0 =	vld.msk [tilespmem:s19+$0x2], $0x1;
	_ =	sdelay $0x4  }
0x75: {  	(v2sf) =	vpush v0, $0x0;
	_ =	sdelay $0xe  }
0x76: {  	s21 =	spop (v2sf)  }
0x77: {  	s21 =	sshll.u32 s21, $0x4  }
0x78: {  	s21 =	sand.u32 $0x1FFFFFF0, s21  }
0x79: {  	s22 =	sadd.s32 $0x500, s20;
	s21 =	sadd.s32 s3, s21  }
0x7a: {  	[tilespmem:s22], [sflag:$0x7] =	stream.linear.gather [hbm4b:s21+s2], $0x80, $0x38;
	[tilespmem:$0x10200] =	vst v63  }
0x7b: {  	v0 =	vld.msk [tilespmem:s19+$0x3], $0x1;
	_ =	sdelay $0x4  }
0x7c: {  	(v2sf) =	vpush v0, $0x0;
	_ =	sdelay $0xd  }
.Ltmp0:
0x7d: {  	(pc) =	sbr.rel @p0 .LBB2_2-.Ltmp0, $4  }
0x7e: {  	s21 =	spop (v2sf)  }
0x7f: {  	s21 =	sshll.u32 s21, $0x4  }
0x80: {  	s21 =	sand.u32 $0x1FFFFFF0, s21  }
0x81: {  	s20 =	sadd.s32 $0x580, s20;
	s19 =	sadd.s32 $0x8, s19;
	s21 =	sadd.s32 s3, s21  }
0x82: {  	[tilespmem:s20], [sflag:$0x8] =	stream.linear.gather [hbm4b:s21+s2], $0x80, $0x38;
	[tilespmem:$0x10200] =	vst v63  }
0x83: {  	_ =	swait.ge [sflag:s8], $0x2000  }
0x84: {  	[sflag:s8] =	ssyncset.done $0x0  }
0x85: {  	[sflag:s8] =	ssyncadd.s32 $0xFFFFE000  }
0x86: {  	_ =	swait.ge [sflag:s9], $0x2000  }
0x87: {  	[sflag:s9] =	ssyncset.done $0x0  }
0x88: {  	[sflag:s9] =	ssyncadd.s32 $0xFFFFE000  }
0x89: {  	_ =	swait.ge [sflag:s10], $0x2000  }
0x8a: {  	[sflag:s10] =	ssyncset.done $0x0  }
0x8b: {  	[sflag:s10] =	ssyncadd.s32 $0xFFFFE000  }
0x8c: {  	_ =	swait.ge [sflag:s11], $0x2000  }
0x8d: {  	[sflag:s11] =	ssyncset.done $0x0  }
0x8e: {  	[sflag:s11] =	ssyncadd.s32 $0xFFFFE000  }
0x8f: {  	_ =	swait.ge [sflag:s12], $0x2000  }
0x90: {  	[sflag:s12] =	ssyncset.done $0x0  }
0x91: {  	[sflag:s12] =	ssyncadd.s32 $0xFFFFE000  }
0x92: {  	_ =	swait.ge [sflag:s13], $0x2000  }
0x93: {  	[sflag:s13] =	ssyncset.done $0x0  }
0x94: {  	[sflag:s13] =	ssyncadd.s32 $0xFFFFE000  }
0x95: {  	_ =	swait.ge [sflag:s14], $0x2000  }
0x96: {  	[sflag:s14] =	ssyncset.done $0x0  }
0x97: {  	[sflag:s14] =	ssyncadd.s32 $0xFFFFE000  }
0x98: {  	s17 =	sadd.s32 $0x1, s17;
	_ =	swait.ge [sflag:s15], $0x2000  }
0x99: {  	p0 =	sne.s32 s17, s6;
	[sflag:s15] =	ssyncset.done $0x0  }
.Ltmp1:
0x9a: {  	[sflag:s15] =	ssyncadd.s32 $0xFFFFE000;
	(pc) =	sbr.rel @p0 .LBB2_1-.Ltmp1, $4  }
0x9b: {  	[hbm4b:s5+s2] =	stream.linear.scatter [tilespmem:s16], [sflag:$0x9], $0x10000, $0x38;
	[tilespmem:$0x10200] =	vst v63  }
0x9c: {  	_ =	swait.ge [sflag:s7], $0x10000  }
0x9d: {  	[sflag:s7] =	ssyncset.done $0x0  }
0x9e: {  	[sflag:s7] =	ssyncadd.s32 $0xFFFF0000  }
0x9f: {  	_ =	sfence.sel $0x180000  }
0xa0: {  	[bflag:$0x0] =	sbarrier.arrive $0xFFFF  }
0xa1: {  	p0 =	sne.s32 s1, $0x0;
	_ =	strace $0x90000047  }
0xa2: {  	s0 =	sadd.s32 @!p0 $0x100000, s0;
	[bflag:$0x2] =	sbarrier.arrive $0xFFFF  }
0xa3: {  	[sflag:s0] =	ssyncadd.tile.s32 @!p0 $0x1;
	_ =	shalt  }
.Lfunc_end2:
_tile_overlayer_lowered:
.L_overlay_start_2:
0xa4: {  	(tag) =	ssettag $0x2  }
0xa5: {  	s0 =	rddreg [dreg:$0x0];
	s2 =	stileid.u32  }
0xa6: {  	s1 =	rddreg [dreg:$0x1];
	p0 =	sne.s32 s2, $0x0  }
0xa7: {  	s3 =	rddreg [dreg:$0x2];
	[bflag:$0x3] =	sbarrier.arrive $0xFFFF;
	s2 =	simm.s32 @!p0 $0x1C09  }
0xa8: {  	[timem:s3], [sflag:s2] =	dma.local @!p0 [hbm:s0], s1  }
0xa9: {  	s0 =	simm.s32 @!p0 $0x9  }
0xaa: {  	_ =	swait.ge @!p0 [sflag:s0], s1  }
0xab: {  	s1 =	ssub.s32 @!p0 $0x0, s1;
	[sflag:s0] =	ssyncset.done @!p0 $0x0  }
0xac: {  	[sflag:s0] =	ssyncadd.s32 @!p0 s1  }
0xad: {  	[bflag:$0x3] =	sbarrier.arrive $0xFFFF  }
0xae: {  	_ =	shalt  }

</sc_bundles>
